<compile_context>
chip_gen: v7x
topology: tpu7x:2x2x1
jax: 0.10.2.dev20260603
libtpu: 0.0.44.dev20260713+nightly
codegen_flags: <defaults>
</compile_context>

<pallas_src>
import functools

import numpy as np
import jax
import jax.numpy as jnp
from jax import lax
from jax.experimental import pallas as pl
from jax.experimental.pallas import tpu as pltpu
from jax.experimental.pallas import tpu_sc as plsc

B = 16384
N_DENSE = 13
N_SPARSE = 26
K = 16
VOCAB = 100000
SPARSE_DIMS = N_SPARSE * K
N_PAIRS = N_SPARSE * (N_SPARSE - 1) // 2
DNN_IN = N_PAIRS + SPARSE_DIMS + N_DENSE

_row, _col = np.triu_indices(N_SPARSE, k=1)
_TRIU_POS = {(int(r), int(c)): t for t, (r, c) in enumerate(zip(_row, _col))}
_BAND_PAIRS = [(i, i + d) for d in range(1, N_SPARSE) for i in range(N_SPARSE - d)]
_BAND_TO_TRIU = np.array([_TRIU_POS[p] for p in _BAND_PAIRS], dtype=np.int32)


@functools.cache
def _make_sc_gather():
    info = plsc.get_sparse_core_info()
    nw = info.num_cores * info.num_subcores
    bw = B // nw
    mesh = plsc.VectorSubcoreMesh(core_axis_name="c", subcore_axis_name="s")

    @functools.partial(
        pl.kernel,
        mesh=mesh,
        out_type=jax.ShapeDtypeStruct((B, SPARSE_DIMS), jnp.float32),
        scratch_types=[
            pltpu.VMEM((2, bw), jnp.int32),
            pltpu.VMEM((2, bw, K), jnp.float32),
            pltpu.SemaphoreType.DMA,
            pltpu.SemaphoreType.DMA,
            pltpu.SemaphoreType.DMA,
            pltpu.SemaphoreType.DMA,
        ],
        compiler_params=pltpu.CompilerParams(use_tc_tiling_on_sc=False),
    )
    def gather_k(tab_hbm, idxT_hbm, out_hbm, idx_v, rows_v, gs0, gs1, os0, os1):
        wid = lax.axis_index("s") * info.num_cores + lax.axis_index("c")
        b0 = wid * bw
        gsem = (gs0, gs1)
        osem = (os0, os1)

        def start(f, buf):
            pltpu.sync_copy(idxT_hbm.at[f, pl.ds(b0, bw)], idx_v.at[buf])
            pltpu.async_copy(
                tab_hbm.at[f].at[idx_v.at[buf]], rows_v.at[buf], gsem[buf])

        def finish(f, buf):
            pltpu.make_async_copy(
                tab_hbm.at[f].at[idx_v.at[buf]], rows_v.at[buf],
                gsem[buf]).wait()
            pltpu.async_copy(
                rows_v.at[buf],
                out_hbm.at[pl.ds(b0, bw), pl.ds(f * K, K)], osem[buf])

        def wait_out(f, buf):
            pltpu.make_async_copy(
                rows_v.at[buf],
                out_hbm.at[pl.ds(b0, bw), pl.ds(f * K, K)], osem[buf]).wait()

        start(0, 0)
        start(1, 1)

        def body(p, _):
            f = 2 * p
            finish(f, 0)
            finish(f + 1, 1)

            @pl.when(f + 2 < N_SPARSE)
            def _():
                wait_out(f, 0)
                start(f + 2, 0)

            @pl.when(f + 3 < N_SPARSE)
            def _():
                wait_out(f + 1, 1)
                start(f + 3, 1)

            return 0

        lax.fori_loop(0, N_SPARSE // 2, body, 0)
        wait_out(N_SPARSE - 2, 0)
        wait_out(N_SPARSE - 1, 1)

    return gather_k


_M = 256


def _tc_body(xdT_ref, z_ref, w1_ref, b1_ref, w2_ref, b2_ref, out_ref):
    z = z_ref[...]
    zT = z.T
    xdT = xdT_ref[...]

    bands = []
    for d in range(1, N_SPARSE):
        w = (N_SPARSE - d) * K
        prod = zT[:w] * zT[d * K:]
        s = prod.reshape(N_SPARSE - d, K, _M).sum(axis=1)
        bands.append(s)
    ipT = jnp.concatenate(bands, axis=0)

    dT = jnp.concatenate([xdT, zT, ipT], axis=0)
    h = jnp.dot(w1_ref[...], dT, preferred_element_type=jnp.float32)
    h = jnp.maximum(h + b1_ref[...], 0.0)
    o = jnp.dot(w2_ref[...], h, preferred_element_type=jnp.float32)
    out_ref[...] = jax.nn.sigmoid(o + b2_ref[...])


@functools.cache
def _make_tc_mlp():
    grid = (B // _M,)
    return pl.pallas_call(
        _tc_body,
        grid=grid,
        in_specs=[
            pl.BlockSpec((N_DENSE, _M), lambda i: (0, i)),
            pl.BlockSpec((_M, SPARSE_DIMS), lambda i: (i, 0)),
            pl.BlockSpec((DNN_IN, DNN_IN), lambda i: (0, 0)),
            pl.BlockSpec((DNN_IN, 1), lambda i: (0, 0)),
            pl.BlockSpec((1, DNN_IN), lambda i: (0, 0)),
            pl.BlockSpec((1, 1), lambda i: (0, 0)),
        ],
        out_specs=pl.BlockSpec((1, _M), lambda i: (0, i)),
        out_shape=jax.ShapeDtypeStruct((1, B), jnp.float32),
    )


def kernel(x, tables, W1, b1, W2, b2):
    idxT = x[:, N_DENSE:].T
    z = _make_sc_gather()(tables, idxT)

    xdT = x[:, :N_DENSE].astype(jnp.float32).T
    w1p = jnp.concatenate(
        [W1[:, : N_DENSE + SPARSE_DIMS],
         W1[:, N_DENSE + SPARSE_DIMS:][:, _BAND_TO_TRIU]], axis=1)

    out = _make_tc_mlp()(xdT, z, w1p, b1[:, None], W2, b2[:, None])
    return out.reshape(B, 1)

# --- scband reference (transcript-rebuilt; emitter-appended) ---
"""Pipeline reference for scband-pnn-54305566490867 (READ-ONLY COPY).

The authoritative reference and input builder live on the scoring server;
editing this copy changes nothing except your own understanding.
"""

import jax, jax.numpy as jnp
import numpy as np

B = 16384
N_DENSE = 13
N_SPARSE = 26
K = 16
VOCAB = 100000
SPARSE_DIMS = N_SPARSE * K
N_PAIRS = N_SPARSE * (N_SPARSE - 1) // 2
DNN_IN = N_PAIRS + SPARSE_DIMS + N_DENSE


def setup_inputs(seed: int = 0) -> dict:
    key = jax.random.key(seed)
    k1, k2, k3, k4 = jax.random.split(key, 4)
    x = jax.random.randint(k1, (B, N_DENSE + N_SPARSE), 0, VOCAB, dtype=jnp.int32)
    # 26 embedding tables stacked: [n_fields, vocab, k], xavier-uniform-like init
    limit = float(np.sqrt(6.0 / (VOCAB + K)))
    tables = jax.random.uniform(k2, (N_SPARSE, VOCAB, K), minval=-limit, maxval=limit, dtype=jnp.float32)
    W1 = jax.random.normal(k3, (DNN_IN, DNN_IN), dtype=jnp.float32) * 0.02
    b1 = jnp.zeros((DNN_IN,), dtype=jnp.float32)
    W2 = jax.random.normal(k4, (1, DNN_IN), dtype=jnp.float32) * 0.02
    b2 = jnp.zeros((1,), dtype=jnp.float32)
    return {"x": x, "tables": tables, "W1": W1, "b1": b1, "W2": W2, "b2": b2}


def reference(x, tables, W1, b1, W2, b2):
    x_dense = x[:, :N_DENSE].astype(jnp.float32)
    x_sparse = x[:, N_DENSE:]
    # per-field embedding lookup: tables[i][x_sparse[:, i]] -> [B, n_fields, k]
    field_idx = jnp.arange(N_SPARSE)[None, :]
    sparse_embed = tables[field_idx, x_sparse]
    z = sparse_embed.reshape(-1, SPARSE_DIMS)
    # inner product over all field pairs (i < j), loop order matches torch module
    row, col = np.triu_indices(N_SPARSE, k=1)
    q = sparse_embed[:, row, :]
    p = sparse_embed[:, col, :]
    inner_reduce = jnp.sum(q * p, axis=-1)  # [B, n_pairs]
    product_output = jnp.concatenate((z, inner_reduce), axis=1)
    dnn_input = jnp.concatenate((x_dense, product_output), axis=-1)
    h = jnp.maximum(dnn_input @ W1.T + b1, 0.0)
    dnn_output = h @ W2.T + b2
    output = jax.nn.sigmoid(dnn_output)
    return output

if __name__ == "__main__":
    import jax
    _d = setup_inputs()
    print(jax.jit(kernel)(*tuple(_d.values())))

</pallas_src>

<mosaic_0001>
#map = affine_map<(d0, d1) -> (0, 0, 0)>
#map1 = affine_map<(d0, d1) -> (0, 0)>
module attributes {stable_mosaic.version = 14 : i64} {
  func.func @gather_k(%arg0: i32, %arg1: i32, %arg2: memref<26x100000x16xf32, #tpu.memory_space<hbm>>, %arg3: memref<26x16384xi32, #tpu.memory_space<hbm>>, %arg4: memref<16384x416xf32, #tpu.memory_space<hbm>>, %arg5: memref<2x512xi32, #tpu.memory_space<vmem>>, %arg6: memref<2x512x16xf32, #tpu.memory_space<vmem>>, %arg7: memref<!tpu.dma_semaphore, #tpu.memory_space<semaphore_mem>>, %arg8: memref<!tpu.dma_semaphore, #tpu.memory_space<semaphore_mem>>, %arg9: memref<!tpu.dma_semaphore, #tpu.memory_space<semaphore_mem>>, %arg10: memref<!tpu.dma_semaphore, #tpu.memory_space<semaphore_mem>>) attributes {dimension_semantics = [#tpu.dimension_semantics<core_parallel>, #tpu.dimension_semantics<subcore_parallel>], iteration_bounds = array<i64: 2, 16>, scalar_prefetch = 0 : i64, scratch_operands = 6 : i64, tpu.core_type = #tpu.core_type<sc_vector_subcore>, window_params = [{transform_indices = #map}, {transform_indices = #map1}, {transform_indices = #map1}]} {
    %mul3A = arith.constant 2 : i32
    %mul3A_0 = arith.muli %arg1, %mul3A : i32
    %add3A = arith.addi %mul3A_0, %arg0 : i32
    %mul3A_1 = arith.constant 512 : i32
    %mul3A_2 = arith.muli %add3A, %mul3A_1 : i32
    %run_scoped3A = arith.constant 0 : i32
    %run_scoped3A_3 = arith.constant 0 : i32
    "tpu.region"() ({
      %run_scoped3A_70 = tpu.sem_alloc : memref<!tpu.dma_semaphore, #tpu.memory_space<semaphore_mem>>
      %dma_start3A_71 = arith.constant 0 : i32
      %dma_start3A_72 = tpu.memref_slice %arg5[%run_scoped3A_3, %dma_start3A_71] : memref<2x512xi32, #tpu.memory_space<vmem>> -> memref<1x512xi32, #tpu.memory_space<vmem>>
      %dma_start3A_73 = tpu.memref_squeeze %dma_start3A_72 : memref<1x512xi32, #tpu.memory_space<vmem>> -> memref<512xi32, #tpu.memory_space<vmem>>
      %dma_start3A_74 = tpu.memref_slice %arg3[%run_scoped3A, %mul3A_2] : memref<26x16384xi32, #tpu.memory_space<hbm>> -> memref<1x512xi32, #tpu.memory_space<hbm>>
      %dma_start3A_75 = tpu.memref_squeeze %dma_start3A_74 : memref<1x512xi32, #tpu.memory_space<hbm>> -> memref<512xi32, #tpu.memory_space<hbm>>
      %dma_start3A_76 = arith.constant 0 : i32
      %dma_start3A_77 = tpu.memref_slice %arg5[%run_scoped3A_3, %dma_start3A_76] : memref<2x512xi32, #tpu.memory_space<vmem>> -> memref<1x512xi32, #tpu.memory_space<vmem>>
      %dma_start3A_78 = tpu.memref_squeeze %dma_start3A_77 : memref<1x512xi32, #tpu.memory_space<vmem>> -> memref<512xi32, #tpu.memory_space<vmem>>
      %dma_start3A_79 = tpu.memref_slice %arg3[%run_scoped3A, %mul3A_2] : memref<26x16384xi32, #tpu.memory_space<hbm>> -> memref<1x512xi32, #tpu.memory_space<hbm>>
      %dma_start3A_80 = tpu.memref_squeeze %dma_start3A_79 : memref<1x512xi32, #tpu.memory_space<hbm>> -> memref<512xi32, #tpu.memory_space<hbm>>
      tpu.enqueue_dma source(%dma_start3A_80 : memref<512xi32, #tpu.memory_space<hbm>>) target(%dma_start3A_78 : memref<512xi32, #tpu.memory_space<vmem>>) target_semaphore(%run_scoped3A_70 : memref<!tpu.dma_semaphore, #tpu.memory_space<semaphore_mem>>)
      %dma_wait3A_81 = arith.constant 0 : i32
      %dma_wait3A_82 = tpu.memref_slice %arg5[%run_scoped3A_3, %dma_wait3A_81] : memref<2x512xi32, #tpu.memory_space<vmem>> -> memref<1x512xi32, #tpu.memory_space<vmem>>
      %dma_wait3A_83 = tpu.memref_squeeze %dma_wait3A_82 : memref<1x512xi32, #tpu.memory_space<vmem>> -> memref<512xi32, #tpu.memory_space<vmem>>
      %dma_wait3A_84 = tpu.memref_slice %arg3[%run_scoped3A, %mul3A_2] : memref<26x16384xi32, #tpu.memory_space<hbm>> -> memref<1x512xi32, #tpu.memory_space<hbm>>
      %dma_wait3A_85 = tpu.memref_squeeze %dma_wait3A_84 : memref<1x512xi32, #tpu.memory_space<hbm>> -> memref<512xi32, #tpu.memory_space<hbm>>
      %dma_wait3A_86 = arith.constant 0 : i32
      %dma_wait3A_87 = tpu.memref_slice %arg5[%run_scoped3A_3, %dma_wait3A_86] : memref<2x512xi32, #tpu.memory_space<vmem>> -> memref<1x512xi32, #tpu.memory_space<vmem>>
      %dma_wait3A_88 = tpu.memref_squeeze %dma_wait3A_87 : memref<1x512xi32, #tpu.memory_space<vmem>> -> memref<512xi32, #tpu.memory_space<vmem>>
      %dma_wait3A_89 = tpu.memref_slice %arg3[%run_scoped3A, %mul3A_2] : memref<26x16384xi32, #tpu.memory_space<hbm>> -> memref<1x512xi32, #tpu.memory_space<hbm>>
      %dma_wait3A_90 = tpu.memref_squeeze %dma_wait3A_89 : memref<1x512xi32, #tpu.memory_space<hbm>> -> memref<512xi32, #tpu.memory_space<hbm>>
      tpu.wait_dma2 semaphore(%run_scoped3A_70 : memref<!tpu.dma_semaphore, #tpu.memory_space<semaphore_mem>>) src(%dma_wait3A_90 : memref<512xi32, #tpu.memory_space<hbm>>) dst(%dma_wait3A_88 : memref<512xi32, #tpu.memory_space<vmem>>)
      tpu.yield
    }) : () -> ()
    %dma_start3A = arith.constant 0 : i32
    %dma_start3A_4 = arith.constant 0 : i32
    %dma_start3A_5 = arith.constant 0 : i32
    %dma_start3A_6 = arith.constant 0 : i32
    %dma_start3A_7 = arith.constant 0 : i32
    %dma_start3A_8 = tpu.memref_slice %arg6[%dma_start3A_5, %dma_start3A_6, %dma_start3A_7] : memref<2x512x16xf32, #tpu.memory_space<vmem>> -> memref<1x512x16xf32, #tpu.memory_space<vmem>>
    %dma_start3A_9 = tpu.memref_squeeze %dma_start3A_8 : memref<1x512x16xf32, #tpu.memory_space<vmem>> -> memref<512x16xf32, #tpu.memory_space<vmem>>
    %dma_start3A_10 = arith.constant 0 : i32
    %dma_start3A_11 = tpu.memref_slice %arg5[%dma_start3A_4, %dma_start3A_10] : memref<2x512xi32, #tpu.memory_space<vmem>> -> memref<1x512xi32, #tpu.memory_space<vmem>>
    %dma_start3A_12 = tpu.memref_squeeze %dma_start3A_11 : memref<1x512xi32, #tpu.memory_space<vmem>> -> memref<512xi32, #tpu.memory_space<vmem>>
    %dma_start3A_13 = arith.constant 0 : i32
    %dma_start3A_14 = arith.constant 0 : i32
    %dma_start3A_15 = tpu.memref_slice %arg2[%dma_start3A, %dma_start3A_13, %dma_start3A_14] : memref<26x100000x16xf32, #tpu.memory_space<hbm>> -> memref<1x100000x16xf32, #tpu.memory_space<hbm>>
    %dma_start3A_16 = tpu.memref_squeeze %dma_start3A_15 : memref<1x100000x16xf32, #tpu.memory_space<hbm>> -> memref<100000x16xf32, #tpu.memory_space<hbm>>
    %dma_start3A_17 = arith.constant 0 : i32
    %dma_start3A_18 = arith.constant 0 : i32
    %dma_start3A_19 = tpu.memref_slice %dma_start3A_16[%dma_start3A_17, %dma_start3A_18] : memref<100000x16xf32, #tpu.memory_space<hbm>> -> memref<100000x16xf32, #tpu.memory_space<hbm>>
    tpu.enqueue_indirect_dma source(%dma_start3A_19 : memref<100000x16xf32, #tpu.memory_space<hbm>>) target(%dma_start3A_9 : memref<512x16xf32, #tpu.memory_space<vmem>>) offsets(%dma_start3A_12 : memref<512xi32, #tpu.memory_space<vmem>>) semaphore(%arg7 : memref<!tpu.dma_semaphore, #tpu.memory_space<semaphore_mem>>)
    %run_scoped3A_20 = arith.constant 1 : i32
    %run_scoped3A_21 = arith.constant 1 : i32
    "tpu.region"() ({
      %run_scoped3A_70 = tpu.sem_alloc : memref<!tpu.dma_semaphore, #tpu.memory_space<semaphore_mem>>
      %dma_start3A_71 = arith.constant 0 : i32
      %dma_start3A_72 = tpu.memref_slice %arg5[%run_scoped3A_21, %dma_start3A_71] : memref<2x512xi32, #tpu.memory_space<vmem>> -> memref<1x512xi32, #tpu.memory_space<vmem>>
      %dma_start3A_73 = tpu.memref_squeeze %dma_start3A_72 : memref<1x512xi32, #tpu.memory_space<vmem>> -> memref<512xi32, #tpu.memory_space<vmem>>
      %dma_start3A_74 = tpu.memref_slice %arg3[%run_scoped3A_20, %mul3A_2] : memref<26x16384xi32, #tpu.memory_space<hbm>> -> memref<1x512xi32, #tpu.memory_space<hbm>>
      %dma_start3A_75 = tpu.memref_squeeze %dma_start3A_74 : memref<1x512xi32, #tpu.memory_space<hbm>> -> memref<512xi32, #tpu.memory_space<hbm>>
      %dma_start3A_76 = arith.constant 0 : i32
      %dma_start3A_77 = tpu.memref_slice %arg5[%run_scoped3A_21, %dma_start3A_76] : memref<2x512xi32, #tpu.memory_space<vmem>> -> memref<1x512xi32, #tpu.memory_space<vmem>>
      %dma_start3A_78 = tpu.memref_squeeze %dma_start3A_77 : memref<1x512xi32, #tpu.memory_space<vmem>> -> memref<512xi32, #tpu.memory_space<vmem>>
      %dma_start3A_79 = tpu.memref_slice %arg3[%run_scoped3A_20, %mul3A_2] : memref<26x16384xi32, #tpu.memory_space<hbm>> -> memref<1x512xi32, #tpu.memory_space<hbm>>
      %dma_start3A_80 = tpu.memref_squeeze %dma_start3A_79 : memref<1x512xi32, #tpu.memory_space<hbm>> -> memref<512xi32, #tpu.memory_space<hbm>>
      tpu.enqueue_dma source(%dma_start3A_80 : memref<512xi32, #tpu.memory_space<hbm>>) target(%dma_start3A_78 : memref<512xi32, #tpu.memory_space<vmem>>) target_semaphore(%run_scoped3A_70 : memref<!tpu.dma_semaphore, #tpu.memory_space<semaphore_mem>>)
      %dma_wait3A_81 = arith.constant 0 : i32
      %dma_wait3A_82 = tpu.memref_slice %arg5[%run_scoped3A_21, %dma_wait3A_81] : memref<2x512xi32, #tpu.memory_space<vmem>> -> memref<1x512xi32, #tpu.memory_space<vmem>>
      %dma_wait3A_83 = tpu.memref_squeeze %dma_wait3A_82 : memref<1x512xi32, #tpu.memory_space<vmem>> -> memref<512xi32, #tpu.memory_space<vmem>>
      %dma_wait3A_84 = tpu.memref_slice %arg3[%run_scoped3A_20, %mul3A_2] : memref<26x16384xi32, #tpu.memory_space<hbm>> -> memref<1x512xi32, #tpu.memory_space<hbm>>
      %dma_wait3A_85 = tpu.memref_squeeze %dma_wait3A_84 : memref<1x512xi32, #tpu.memory_space<hbm>> -> memref<512xi32, #tpu.memory_space<hbm>>
      %dma_wait3A_86 = arith.constant 0 : i32
      %dma_wait3A_87 = tpu.memref_slice %arg5[%run_scoped3A_21, %dma_wait3A_86] : memref<2x512xi32, #tpu.memory_space<vmem>> -> memref<1x512xi32, #tpu.memory_space<vmem>>
      %dma_wait3A_88 = tpu.memref_squeeze %dma_wait3A_87 : memref<1x512xi32, #tpu.memory_space<vmem>> -> memref<512xi32, #tpu.memory_space<vmem>>
      %dma_wait3A_89 = tpu.memref_slice %arg3[%run_scoped3A_20, %mul3A_2] : memref<26x16384xi32, #tpu.memory_space<hbm>> -> memref<1x512xi32, #tpu.memory_space<hbm>>
      %dma_wait3A_90 = tpu.memref_squeeze %dma_wait3A_89 : memref<1x512xi32, #tpu.memory_space<hbm>> -> memref<512xi32, #tpu.memory_space<hbm>>
      tpu.wait_dma2 semaphore(%run_scoped3A_70 : memref<!tpu.dma_semaphore, #tpu.memory_space<semaphore_mem>>) src(%dma_wait3A_90 : memref<512xi32, #tpu.memory_space<hbm>>) dst(%dma_wait3A_88 : memref<512xi32, #tpu.memory_space<vmem>>)
      tpu.yield
    }) : () -> ()
    %dma_start3A_22 = arith.constant 1 : i32
    %dma_start3A_23 = arith.constant 1 : i32
    %dma_start3A_24 = arith.constant 1 : i32
    %dma_start3A_25 = arith.constant 0 : i32
    %dma_start3A_26 = arith.constant 0 : i32
    %dma_start3A_27 = tpu.memref_slice %arg6[%dma_start3A_24, %dma_start3A_25, %dma_start3A_26] : memref<2x512x16xf32, #tpu.memory_space<vmem>> -> memref<1x512x16xf32, #tpu.memory_space<vmem>>
    %dma_start3A_28 = tpu.memref_squeeze %dma_start3A_27 : memref<1x512x16xf32, #tpu.memory_space<vmem>> -> memref<512x16xf32, #tpu.memory_space<vmem>>
    %dma_start3A_29 = arith.constant 0 : i32
    %dma_start3A_30 = tpu.memref_slice %arg5[%dma_start3A_23, %dma_start3A_29] : memref<2x512xi32, #tpu.memory_space<vmem>> -> memref<1x512xi32, #tpu.memory_space<vmem>>
    %dma_start3A_31 = tpu.memref_squeeze %dma_start3A_30 : memref<1x512xi32, #tpu.memory_space<vmem>> -> memref<512xi32, #tpu.memory_space<vmem>>
    %dma_start3A_32 = arith.constant 0 : i32
    %dma_start3A_33 = arith.constant 0 : i32
    %dma_start3A_34 = tpu.memref_slice %arg2[%dma_start3A_22, %dma_start3A_32, %dma_start3A_33] : memref<26x100000x16xf32, #tpu.memory_space<hbm>> -> memref<1x100000x16xf32, #tpu.memory_space<hbm>>
    %dma_start3A_35 = tpu.memref_squeeze %dma_start3A_34 : memref<1x100000x16xf32, #tpu.memory_space<hbm>> -> memref<100000x16xf32, #tpu.memory_space<hbm>>
    %dma_start3A_36 = arith.constant 0 : i32
    %dma_start3A_37 = arith.constant 0 : i32
    %dma_start3A_38 = tpu.memref_slice %dma_start3A_35[%dma_start3A_36, %dma_start3A_37] : memref<100000x16xf32, #tpu.memory_space<hbm>> -> memref<100000x16xf32, #tpu.memory_space<hbm>>
    tpu.enqueue_indirect_dma source(%dma_start3A_38 : memref<100000x16xf32, #tpu.memory_space<hbm>>) target(%dma_start3A_28 : memref<512x16xf32, #tpu.memory_space<vmem>>) offsets(%dma_start3A_31 : memref<512xi32, #tpu.memory_space<vmem>>) semaphore(%arg8 : memref<!tpu.dma_semaphore, #tpu.memory_space<semaphore_mem>>)
    %scan3A = arith.constant 0 : i32
    %scan3A_39 = arith.constant 0 : i32
    %scan3A_40 = arith.constant 13 : i32
    %scan3A_41 = arith.addi %scan3A_39, %scan3A_40 : i32
    %scan3A_42 = arith.constant 1 : i32
    %scan3A_43 = scf.for %scan3A_70 = %scan3A_39 to %scan3A_41 step %scan3A_42 iter_args(%scan3A_71 = %scan3A) -> (i32)  : i32 {
      %mul3A_72 = arith.constant 2 : i32
      %mul3A_73 = arith.muli %mul3A_72, %scan3A_70 : i32
      %dma_wait3A_74 = arith.constant 0 : i32
      %dma_wait3A_75 = arith.constant 0 : i32
      %dma_wait3A_76 = arith.constant 0 : i32
      %dma_wait3A_77 = arith.constant 0 : i32
      %dma_wait3A_78 = tpu.memref_slice %arg6[%dma_wait3A_75, %dma_wait3A_76, %dma_wait3A_77] : memref<2x512x16xf32, #tpu.memory_space<vmem>> -> memref<1x512x16xf32, #tpu.memory_space<vmem>>
      %dma_wait3A_79 = tpu.memref_squeeze %dma_wait3A_78 : memref<1x512x16xf32, #tpu.memory_space<vmem>> -> memref<512x16xf32, #tpu.memory_space<vmem>>
      %dma_wait3A_80 = arith.constant 0 : i32
      %dma_wait3A_81 = tpu.memref_slice %arg5[%dma_wait3A_74, %dma_wait3A_80] : memref<2x512xi32, #tpu.memory_space<vmem>> -> memref<1x512xi32, #tpu.memory_space<vmem>>
      %dma_wait3A_82 = tpu.memref_squeeze %dma_wait3A_81 : memref<1x512xi32, #tpu.memory_space<vmem>> -> memref<512xi32, #tpu.memory_space<vmem>>
      %dma_wait3A_83 = arith.constant 0 : i32
      %dma_wait3A_84 = arith.constant 0 : i32
      %dma_wait3A_85 = tpu.memref_slice %arg2[%mul3A_73, %dma_wait3A_83, %dma_wait3A_84] : memref<26x100000x16xf32, #tpu.memory_space<hbm>> -> memref<1x100000x16xf32, #tpu.memory_space<hbm>>
      %dma_wait3A_86 = tpu.memref_squeeze %dma_wait3A_85 : memref<1x100000x16xf32, #tpu.memory_space<hbm>> -> memref<100000x16xf32, #tpu.memory_space<hbm>>
      %dma_wait3A_87 = arith.constant 0 : i32
      %dma_wait3A_88 = arith.constant 0 : i32
      %dma_wait3A_89 = tpu.memref_slice %dma_wait3A_86[%dma_wait3A_87, %dma_wait3A_88] : memref<100000x16xf32, #tpu.memory_space<hbm>> -> memref<100000x16xf32, #tpu.memory_space<hbm>>
      tpu.wait_indirect_dma semaphore(%arg7 : memref<!tpu.dma_semaphore, #tpu.memory_space<semaphore_mem>>) src(%dma_wait3A_89 : memref<100000x16xf32, #tpu.memory_space<hbm>>) dst(%dma_wait3A_79 : memref<512x16xf32, #tpu.memory_space<vmem>>)
      %mul3A_90 = arith.constant 16 : i32
      %mul3A_91 = arith.muli %mul3A_73, %mul3A_90 : i32
      %dma_start3A_92 = arith.constant 0 : i32
      %dma_start3A_93 = arith.constant 0 : i32
      %dma_start3A_94 = arith.constant 0 : i32
      %dma_start3A_95 = tpu.memref_slice %arg6[%dma_start3A_92, %dma_start3A_93, %dma_start3A_94] : memref<2x512x16xf32, #tpu.memory_space<vmem>> -> memref<1x512x16xf32, #tpu.memory_space<vmem>>
      %dma_start3A_96 = tpu.memref_squeeze %dma_start3A_95 : memref<1x512x16xf32, #tpu.memory_space<vmem>> -> memref<512x16xf32, #tpu.memory_space<vmem>>
      %dma_start3A_97 = tpu.memref_slice %arg4[%mul3A_2, %mul3A_91] : memref<16384x416xf32, #tpu.memory_space<hbm>> -> memref<512x16xf32, #tpu.memory_space<hbm>>
      %dma_start3A_98 = tpu.memref_slice %arg4[%mul3A_2, %mul3A_91] : memref<16384x416xf32, #tpu.memory_space<hbm>> -> memref<512x16xf32, #tpu.memory_space<hbm>>
      %dma_start3A_99 = arith.constant 0 : i32
      %dma_start3A_100 = arith.constant 0 : i32
      %dma_start3A_101 = tpu.memref_slice %arg6[%dma_start3A_92, %dma_start3A_99, %dma_start3A_100] : memref<2x512x16xf32, #tpu.memory_space<vmem>> -> memref<1x512x16xf32, #tpu.memory_space<vmem>>
      %dma_start3A_102 = tpu.memref_squeeze %dma_start3A_101 : memref<1x512x16xf32, #tpu.memory_space<vmem>> -> memref<512x16xf32, #tpu.memory_space<vmem>>
      tpu.enqueue_dma source(%dma_start3A_102 : memref<512x16xf32, #tpu.memory_space<vmem>>) target(%dma_start3A_98 : memref<512x16xf32, #tpu.memory_space<hbm>>) target_semaphore(%arg9 : memref<!tpu.dma_semaphore, #tpu.memory_space<semaphore_mem>>)
      %add3A_103 = arith.constant 1 : i32
      %add3A_104 = arith.addi %mul3A_73, %add3A_103 : i32
      %dma_wait3A_105 = arith.constant 1 : i32
      %dma_wait3A_106 = arith.constant 1 : i32
      %dma_wait3A_107 = arith.constant 0 : i32
      %dma_wait3A_108 = arith.constant 0 : i32
      %dma_wait3A_109 = tpu.memref_slice %arg6[%dma_wait3A_106, %dma_wait3A_107, %dma_wait3A_108] : memref<2x512x16xf32, #tpu.memory_space<vmem>> -> memref<1x512x16xf32, #tpu.memory_space<vmem>>
      %dma_wait3A_110 = tpu.memref_squeeze %dma_wait3A_109 : memref<1x512x16xf32, #tpu.memory_space<vmem>> -> memref<512x16xf32, #tpu.memory_space<vmem>>
      %dma_wait3A_111 = arith.constant 0 : i32
      %dma_wait3A_112 = tpu.memref_slice %arg5[%dma_wait3A_105, %dma_wait3A_111] : memref<2x512xi32, #tpu.memory_space<vmem>> -> memref<1x512xi32, #tpu.memory_space<vmem>>
      %dma_wait3A_113 = tpu.memref_squeeze %dma_wait3A_112 : memref<1x512xi32, #tpu.memory_space<vmem>> -> memref<512xi32, #tpu.memory_space<vmem>>
      %dma_wait3A_114 = arith.constant 0 : i32
      %dma_wait3A_115 = arith.constant 0 : i32
      %dma_wait3A_116 = tpu.memref_slice %arg2[%add3A_104, %dma_wait3A_114, %dma_wait3A_115] : memref<26x100000x16xf32, #tpu.memory_space<hbm>> -> memref<1x100000x16xf32, #tpu.memory_space<hbm>>
      %dma_wait3A_117 = tpu.memref_squeeze %dma_wait3A_116 : memref<1x100000x16xf32, #tpu.memory_space<hbm>> -> memref<100000x16xf32, #tpu.memory_space<hbm>>
      %dma_wait3A_118 = arith.constant 0 : i32
      %dma_wait3A_119 = arith.constant 0 : i32
      %dma_wait3A_120 = tpu.memref_slice %dma_wait3A_117[%dma_wait3A_118, %dma_wait3A_119] : memref<100000x16xf32, #tpu.memory_space<hbm>> -> memref<100000x16xf32, #tpu.memory_space<hbm>>
      tpu.wait_indirect_dma semaphore(%arg8 : memref<!tpu.dma_semaphore, #tpu.memory_space<semaphore_mem>>) src(%dma_wait3A_120 : memref<100000x16xf32, #tpu.memory_space<hbm>>) dst(%dma_wait3A_110 : memref<512x16xf32, #tpu.memory_space<vmem>>)
      %mul3A_121 = arith.constant 16 : i32
      %mul3A_122 = arith.muli %add3A_104, %mul3A_121 : i32
      %dma_start3A_123 = arith.constant 1 : i32
      %dma_start3A_124 = arith.constant 0 : i32
      %dma_start3A_125 = arith.constant 0 : i32
      %dma_start3A_126 = tpu.memref_slice %arg6[%dma_start3A_123, %dma_start3A_124, %dma_start3A_125] : memref<2x512x16xf32, #tpu.memory_space<vmem>> -> memref<1x512x16xf32, #tpu.memory_space<vmem>>
      %dma_start3A_127 = tpu.memref_squeeze %dma_start3A_126 : memref<1x512x16xf32, #tpu.memory_space<vmem>> -> memref<512x16xf32, #tpu.memory_space<vmem>>
      %dma_start3A_128 = tpu.memref_slice %arg4[%mul3A_2, %mul3A_122] : memref<16384x416xf32, #tpu.memory_space<hbm>> -> memref<512x16xf32, #tpu.memory_space<hbm>>
      %dma_start3A_129 = tpu.memref_slice %arg4[%mul3A_2, %mul3A_122] : memref<16384x416xf32, #tpu.memory_space<hbm>> -> memref<512x16xf32, #tpu.memory_space<hbm>>
      %dma_start3A_130 = arith.constant 0 : i32
      %dma_start3A_131 = arith.constant 0 : i32
      %dma_start3A_132 = tpu.memref_slice %arg6[%dma_start3A_123, %dma_start3A_130, %dma_start3A_131] : memref<2x512x16xf32, #tpu.memory_space<vmem>> -> memref<1x512x16xf32, #tpu.memory_space<vmem>>
      %dma_start3A_133 = tpu.memref_squeeze %dma_start3A_132 : memref<1x512x16xf32, #tpu.memory_space<vmem>> -> memref<512x16xf32, #tpu.memory_space<vmem>>
      tpu.enqueue_dma source(%dma_start3A_133 : memref<512x16xf32, #tpu.memory_space<vmem>>) target(%dma_start3A_129 : memref<512x16xf32, #tpu.memory_space<hbm>>) target_semaphore(%arg10 : memref<!tpu.dma_semaphore, #tpu.memory_space<semaphore_mem>>)
      %add3A_134 = arith.constant 2 : i32
      %add3A_135 = arith.addi %mul3A_73, %add3A_134 : i32
      %lt3A = arith.constant 26 : i32
      %lt3A_136 = arith.cmpi slt, %add3A_135, %lt3A : i32
      %convert_element_type3A = arith.extui %lt3A_136 : i1 to i32
      %cond3A = arith.constant 0 : i32
      %cond3A_137 = arith.cmpi ne, %convert_element_type3A, %cond3A : i32
      scf.if %cond3A_137 {
        %mul3A_146 = arith.constant 16 : i32
        %mul3A_147 = arith.muli %mul3A_73, %mul3A_146 : i32
        %dma_wait3A_148 = arith.constant 0 : i32
        %dma_wait3A_149 = arith.constant 0 : i32
        %dma_wait3A_150 = arith.constant 0 : i32
        %dma_wait3A_151 = tpu.memref_slice %arg6[%dma_wait3A_148, %dma_wait3A_149, %dma_wait3A_150] : memref<2x512x16xf32, #tpu.memory_space<vmem>> -> memref<1x512x16xf32, #tpu.memory_space<vmem>>
        %dma_wait3A_152 = tpu.memref_squeeze %dma_wait3A_151 : memref<1x512x16xf32, #tpu.memory_space<vmem>> -> memref<512x16xf32, #tpu.memory_space<vmem>>
        %dma_wait3A_153 = tpu.memref_slice %arg4[%mul3A_2, %mul3A_147] : memref<16384x416xf32, #tpu.memory_space<hbm>> -> memref<512x16xf32, #tpu.memory_space<hbm>>
        %dma_wait3A_154 = tpu.memref_slice %arg4[%mul3A_2, %mul3A_147] : memref<16384x416xf32, #tpu.memory_space<hbm>> -> memref<512x16xf32, #tpu.memory_space<hbm>>
        %dma_wait3A_155 = arith.constant 0 : i32
        %dma_wait3A_156 = arith.constant 0 : i32
        %dma_wait3A_157 = tpu.memref_slice %arg6[%dma_wait3A_148, %dma_wait3A_155, %dma_wait3A_156] : memref<2x512x16xf32, #tpu.memory_space<vmem>> -> memref<1x512x16xf32, #tpu.memory_space<vmem>>
        %dma_wait3A_158 = tpu.memref_squeeze %dma_wait3A_157 : memref<1x512x16xf32, #tpu.memory_space<vmem>> -> memref<512x16xf32, #tpu.memory_space<vmem>>
        tpu.wait_dma2 semaphore(%arg9 : memref<!tpu.dma_semaphore, #tpu.memory_space<semaphore_mem>>) src(%dma_wait3A_158 : memref<512x16xf32, #tpu.memory_space<vmem>>) dst(%dma_wait3A_154 : memref<512x16xf32, #tpu.memory_space<hbm>>)
        %add3A_159 = arith.constant 2 : i32
        %add3A_160 = arith.addi %mul3A_73, %add3A_159 : i32
        %run_scoped3A_161 = arith.constant 0 : i32
        "tpu.region"() ({
          %run_scoped3A_178 = tpu.sem_alloc : memref<!tpu.dma_semaphore, #tpu.memory_space<semaphore_mem>>
          %dma_start3A_179 = arith.constant 0 : i32
          %dma_start3A_180 = tpu.memref_slice %arg5[%run_scoped3A_161, %dma_start3A_179] : memref<2x512xi32, #tpu.memory_space<vmem>> -> memref<1x512xi32, #tpu.memory_space<vmem>>
          %dma_start3A_181 = tpu.memref_squeeze %dma_start3A_180 : memref<1x512xi32, #tpu.memory_space<vmem>> -> memref<512xi32, #tpu.memory_space<vmem>>
          %dma_start3A_182 = tpu.memref_slice %arg3[%add3A_160, %mul3A_2] : memref<26x16384xi32, #tpu.memory_space<hbm>> -> memref<1x512xi32, #tpu.memory_space<hbm>>
          %dma_start3A_183 = tpu.memref_squeeze %dma_start3A_182 : memref<1x512xi32, #tpu.memory_space<hbm>> -> memref<512xi32, #tpu.memory_space<hbm>>
          %dma_start3A_184 = arith.constant 0 : i32
          %dma_start3A_185 = tpu.memref_slice %arg5[%run_scoped3A_161, %dma_start3A_184] : memref<2x512xi32, #tpu.memory_space<vmem>> -> memref<1x512xi32, #tpu.memory_space<vmem>>
          %dma_start3A_186 = tpu.memref_squeeze %dma_start3A_185 : memref<1x512xi32, #tpu.memory_space<vmem>> -> memref<512xi32, #tpu.memory_space<vmem>>
          %dma_start3A_187 = tpu.memref_slice %arg3[%add3A_160, %mul3A_2] : memref<26x16384xi32, #tpu.memory_space<hbm>> -> memref<1x512xi32, #tpu.memory_space<hbm>>
          %dma_start3A_188 = tpu.memref_squeeze %dma_start3A_187 : memref<1x512xi32, #tpu.memory_space<hbm>> -> memref<512xi32, #tpu.memory_space<hbm>>
          tpu.enqueue_dma source(%dma_start3A_188 : memref<512xi32, #tpu.memory_space<hbm>>) target(%dma_start3A_186 : memref<512xi32, #tpu.memory_space<vmem>>) target_semaphore(%run_scoped3A_178 : memref<!tpu.dma_semaphore, #tpu.memory_space<semaphore_mem>>)
          %dma_wait3A_189 = arith.constant 0 : i32
          %dma_wait3A_190 = tpu.memref_slice %arg5[%run_scoped3A_161, %dma_wait3A_189] : memref<2x512xi32, #tpu.memory_space<vmem>> -> memref<1x512xi32, #tpu.memory_space<vmem>>
          %dma_wait3A_191 = tpu.memref_squeeze %dma_wait3A_190 : memref<1x512xi32, #tpu.memory_space<vmem>> -> memref<512xi32, #tpu.memory_space<vmem>>
          %dma_wait3A_192 = tpu.memref_slice %arg3[%add3A_160, %mul3A_2] : memref<26x16384xi32, #tpu.memory_space<hbm>> -> memref<1x512xi32, #tpu.memory_space<hbm>>
          %dma_wait3A_193 = tpu.memref_squeeze %dma_wait3A_192 : memref<1x512xi32, #tpu.memory_space<hbm>> -> memref<512xi32, #tpu.memory_space<hbm>>
          %dma_wait3A_194 = arith.constant 0 : i32
          %dma_wait3A_195 = tpu.memref_slice %arg5[%run_scoped3A_161, %dma_wait3A_194] : memref<2x512xi32, #tpu.memory_space<vmem>> -> memref<1x512xi32, #tpu.memory_space<vmem>>
          %dma_wait3A_196 = tpu.memref_squeeze %dma_wait3A_195 : memref<1x512xi32, #tpu.memory_space<vmem>> -> memref<512xi32, #tpu.memory_space<vmem>>
          %dma_wait3A_197 = tpu.memref_slice %arg3[%add3A_160, %mul3A_2] : memref<26x16384xi32, #tpu.memory_space<hbm>> -> memref<1x512xi32, #tpu.memory_space<hbm>>
          %dma_wait3A_198 = tpu.memref_squeeze %dma_wait3A_197 : memref<1x512xi32, #tpu.memory_space<hbm>> -> memref<512xi32, #tpu.memory_space<hbm>>
          tpu.wait_dma2 semaphore(%run_scoped3A_178 : memref<!tpu.dma_semaphore, #tpu.memory_space<semaphore_mem>>) src(%dma_wait3A_198 : memref<512xi32, #tpu.memory_space<hbm>>) dst(%dma_wait3A_196 : memref<512xi32, #tpu.memory_space<vmem>>)
          tpu.yield
        }) : () -> ()
        %dma_start3A_162 = arith.constant 0 : i32
        %dma_start3A_163 = arith.constant 0 : i32
        %dma_start3A_164 = arith.constant 0 : i32
        %dma_start3A_165 = arith.constant 0 : i32
        %dma_start3A_166 = tpu.memref_slice %arg6[%dma_start3A_163, %dma_start3A_164, %dma_start3A_165] : memref<2x512x16xf32, #tpu.memory_space<vmem>> -> memref<1x512x16xf32, #tpu.memory_space<vmem>>
        %dma_start3A_167 = tpu.memref_squeeze %dma_start3A_166 : memref<1x512x16xf32, #tpu.memory_space<vmem>> -> memref<512x16xf32, #tpu.memory_space<vmem>>
        %dma_start3A_168 = arith.constant 0 : i32
        %dma_start3A_169 = tpu.memref_slice %arg5[%dma_start3A_162, %dma_start3A_168] : memref<2x512xi32, #tpu.memory_space<vmem>> -> memref<1x512xi32, #tpu.memory_space<vmem>>
        %dma_start3A_170 = tpu.memref_squeeze %dma_start3A_169 : memref<1x512xi32, #tpu.memory_space<vmem>> -> memref<512xi32, #tpu.memory_space<vmem>>
        %dma_start3A_171 = arith.constant 0 : i32
        %dma_start3A_172 = arith.constant 0 : i32
        %dma_start3A_173 = tpu.memref_slice %arg2[%add3A_160, %dma_start3A_171, %dma_start3A_172] : memref<26x100000x16xf32, #tpu.memory_space<hbm>> -> memref<1x100000x16xf32, #tpu.memory_space<hbm>>
        %dma_start3A_174 = tpu.memref_squeeze %dma_start3A_173 : memref<1x100000x16xf32, #tpu.memory_space<hbm>> -> memref<100000x16xf32, #tpu.memory_space<hbm>>
        %dma_start3A_175 = arith.constant 0 : i32
        %dma_start3A_176 = arith.constant 0 : i32
        %dma_start3A_177 = tpu.memref_slice %dma_start3A_174[%dma_start3A_175, %dma_start3A_176] : memref<100000x16xf32, #tpu.memory_space<hbm>> -> memref<100000x16xf32, #tpu.memory_space<hbm>>
        tpu.enqueue_indirect_dma source(%dma_start3A_177 : memref<100000x16xf32, #tpu.memory_space<hbm>>) target(%dma_start3A_167 : memref<512x16xf32, #tpu.memory_space<vmem>>) offsets(%dma_start3A_170 : memref<512xi32, #tpu.memory_space<vmem>>) semaphore(%arg7 : memref<!tpu.dma_semaphore, #tpu.memory_space<semaphore_mem>>)
      } else {
      }
      %add3A_138 = arith.constant 3 : i32
      %add3A_139 = arith.addi %mul3A_73, %add3A_138 : i32
      %lt3A_140 = arith.constant 26 : i32
      %lt3A_141 = arith.cmpi slt, %add3A_139, %lt3A_140 : i32
      %convert_element_type3A_142 = arith.extui %lt3A_141 : i1 to i32
      %cond3A_143 = arith.constant 0 : i32
      %cond3A_144 = arith.cmpi ne, %convert_element_type3A_142, %cond3A_143 : i32
      scf.if %cond3A_144 {
        %add3A_146 = arith.constant 1 : i32
        %add3A_147 = arith.addi %mul3A_73, %add3A_146 : i32
        %mul3A_148 = arith.constant 16 : i32
        %mul3A_149 = arith.muli %add3A_147, %mul3A_148 : i32
        %dma_wait3A_150 = arith.constant 1 : i32
        %dma_wait3A_151 = arith.constant 0 : i32
        %dma_wait3A_152 = arith.constant 0 : i32
        %dma_wait3A_153 = tpu.memref_slice %arg6[%dma_wait3A_150, %dma_wait3A_151, %dma_wait3A_152] : memref<2x512x16xf32, #tpu.memory_space<vmem>> -> memref<1x512x16xf32, #tpu.memory_space<vmem>>
        %dma_wait3A_154 = tpu.memref_squeeze %dma_wait3A_153 : memref<1x512x16xf32, #tpu.memory_space<vmem>> -> memref<512x16xf32, #tpu.memory_space<vmem>>
        %dma_wait3A_155 = tpu.memref_slice %arg4[%mul3A_2, %mul3A_149] : memref<16384x416xf32, #tpu.memory_space<hbm>> -> memref<512x16xf32, #tpu.memory_space<hbm>>
        %dma_wait3A_156 = tpu.memref_slice %arg4[%mul3A_2, %mul3A_149] : memref<16384x416xf32, #tpu.memory_space<hbm>> -> memref<512x16xf32, #tpu.memory_space<hbm>>
        %dma_wait3A_157 = arith.constant 0 : i32
        %dma_wait3A_158 = arith.constant 0 : i32
        %dma_wait3A_159 = tpu.memref_slice %arg6[%dma_wait3A_150, %dma_wait3A_157, %dma_wait3A_158] : memref<2x512x16xf32, #tpu.memory_space<vmem>> -> memref<1x512x16xf32, #tpu.memory_space<vmem>>
        %dma_wait3A_160 = tpu.memref_squeeze %dma_wait3A_159 : memref<1x512x16xf32, #tpu.memory_space<vmem>> -> memref<512x16xf32, #tpu.memory_space<vmem>>
        tpu.wait_dma2 semaphore(%arg10 : memref<!tpu.dma_semaphore, #tpu.memory_space<semaphore_mem>>) src(%dma_wait3A_160 : memref<512x16xf32, #tpu.memory_space<vmem>>) dst(%dma_wait3A_156 : memref<512x16xf32, #tpu.memory_space<hbm>>)
        %add3A_161 = arith.constant 3 : i32
        %add3A_162 = arith.addi %mul3A_73, %add3A_161 : i32
        %run_scoped3A_163 = arith.constant 1 : i32
        "tpu.region"() ({
          %run_scoped3A_180 = tpu.sem_alloc : memref<!tpu.dma_semaphore, #tpu.memory_space<semaphore_mem>>
          %dma_start3A_181 = arith.constant 0 : i32
          %dma_start3A_182 = tpu.memref_slice %arg5[%run_scoped3A_163, %dma_start3A_181] : memref<2x512xi32, #tpu.memory_space<vmem>> -> memref<1x512xi32, #tpu.memory_space<vmem>>
          %dma_start3A_183 = tpu.memref_squeeze %dma_start3A_182 : memref<1x512xi32, #tpu.memory_space<vmem>> -> memref<512xi32, #tpu.memory_space<vmem>>
          %dma_start3A_184 = tpu.memref_slice %arg3[%add3A_162, %mul3A_2] : memref<26x16384xi32, #tpu.memory_space<hbm>> -> memref<1x512xi32, #tpu.memory_space<hbm>>
          %dma_start3A_185 = tpu.memref_squeeze %dma_start3A_184 : memref<1x512xi32, #tpu.memory_space<hbm>> -> memref<512xi32, #tpu.memory_space<hbm>>
          %dma_start3A_186 = arith.constant 0 : i32
          %dma_start3A_187 = tpu.memref_slice %arg5[%run_scoped3A_163, %dma_start3A_186] : memref<2x512xi32, #tpu.memory_space<vmem>> -> memref<1x512xi32, #tpu.memory_space<vmem>>
          %dma_start3A_188 = tpu.memref_squeeze %dma_start3A_187 : memref<1x512xi32, #tpu.memory_space<vmem>> -> memref<512xi32, #tpu.memory_space<vmem>>
          %dma_start3A_189 = tpu.memref_slice %arg3[%add3A_162, %mul3A_2] : memref<26x16384xi32, #tpu.memory_space<hbm>> -> memref<1x512xi32, #tpu.memory_space<hbm>>
          %dma_start3A_190 = tpu.memref_squeeze %dma_start3A_189 : memref<1x512xi32, #tpu.memory_space<hbm>> -> memref<512xi32, #tpu.memory_space<hbm>>
          tpu.enqueue_dma source(%dma_start3A_190 : memref<512xi32, #tpu.memory_space<hbm>>) target(%dma_start3A_188 : memref<512xi32, #tpu.memory_space<vmem>>) target_semaphore(%run_scoped3A_180 : memref<!tpu.dma_semaphore, #tpu.memory_space<semaphore_mem>>)
          %dma_wait3A_191 = arith.constant 0 : i32
          %dma_wait3A_192 = tpu.memref_slice %arg5[%run_scoped3A_163, %dma_wait3A_191] : memref<2x512xi32, #tpu.memory_space<vmem>> -> memref<1x512xi32, #tpu.memory_space<vmem>>
          %dma_wait3A_193 = tpu.memref_squeeze %dma_wait3A_192 : memref<1x512xi32, #tpu.memory_space<vmem>> -> memref<512xi32, #tpu.memory_space<vmem>>
          %dma_wait3A_194 = tpu.memref_slice %arg3[%add3A_162, %mul3A_2] : memref<26x16384xi32, #tpu.memory_space<hbm>> -> memref<1x512xi32, #tpu.memory_space<hbm>>
          %dma_wait3A_195 = tpu.memref_squeeze %dma_wait3A_194 : memref<1x512xi32, #tpu.memory_space<hbm>> -> memref<512xi32, #tpu.memory_space<hbm>>
          %dma_wait3A_196 = arith.constant 0 : i32
          %dma_wait3A_197 = tpu.memref_slice %arg5[%run_scoped3A_163, %dma_wait3A_196] : memref<2x512xi32, #tpu.memory_space<vmem>> -> memref<1x512xi32, #tpu.memory_space<vmem>>
          %dma_wait3A_198 = tpu.memref_squeeze %dma_wait3A_197 : memref<1x512xi32, #tpu.memory_space<vmem>> -> memref<512xi32, #tpu.memory_space<vmem>>
          %dma_wait3A_199 = tpu.memref_slice %arg3[%add3A_162, %mul3A_2] : memref<26x16384xi32, #tpu.memory_space<hbm>> -> memref<1x512xi32, #tpu.memory_space<hbm>>
          %dma_wait3A_200 = tpu.memref_squeeze %dma_wait3A_199 : memref<1x512xi32, #tpu.memory_space<hbm>> -> memref<512xi32, #tpu.memory_space<hbm>>
          tpu.wait_dma2 semaphore(%run_scoped3A_180 : memref<!tpu.dma_semaphore, #tpu.memory_space<semaphore_mem>>) src(%dma_wait3A_200 : memref<512xi32, #tpu.memory_space<hbm>>) dst(%dma_wait3A_198 : memref<512xi32, #tpu.memory_space<vmem>>)
          tpu.yield
        }) : () -> ()
        %dma_start3A_164 = arith.constant 1 : i32
        %dma_start3A_165 = arith.constant 1 : i32
        %dma_start3A_166 = arith.constant 0 : i32
        %dma_start3A_167 = arith.constant 0 : i32
        %dma_start3A_168 = tpu.memref_slice %arg6[%dma_start3A_165, %dma_start3A_166, %dma_start3A_167] : memref<2x512x16xf32, #tpu.memory_space<vmem>> -> memref<1x512x16xf32, #tpu.memory_space<vmem>>
        %dma_start3A_169 = tpu.memref_squeeze %dma_start3A_168 : memref<1x512x16xf32, #tpu.memory_space<vmem>> -> memref<512x16xf32, #tpu.memory_space<vmem>>
        %dma_start3A_170 = arith.constant 0 : i32
        %dma_start3A_171 = tpu.memref_slice %arg5[%dma_start3A_164, %dma_start3A_170] : memref<2x512xi32, #tpu.memory_space<vmem>> -> memref<1x512xi32, #tpu.memory_space<vmem>>
        %dma_start3A_172 = tpu.memref_squeeze %dma_start3A_171 : memref<1x512xi32, #tpu.memory_space<vmem>> -> memref<512xi32, #tpu.memory_space<vmem>>
        %dma_start3A_173 = arith.constant 0 : i32
        %dma_start3A_174 = arith.constant 0 : i32
        %dma_start3A_175 = tpu.memref_slice %arg2[%add3A_162, %dma_start3A_173, %dma_start3A_174] : memref<26x100000x16xf32, #tpu.memory_space<hbm>> -> memref<1x100000x16xf32, #tpu.memory_space<hbm>>
        %dma_start3A_176 = tpu.memref_squeeze %dma_start3A_175 : memref<1x100000x16xf32, #tpu.memory_space<hbm>> -> memref<100000x16xf32, #tpu.memory_space<hbm>>
        %dma_start3A_177 = arith.constant 0 : i32
        %dma_start3A_178 = arith.constant 0 : i32
        %dma_start3A_179 = tpu.memref_slice %dma_start3A_176[%dma_start3A_177, %dma_start3A_178] : memref<100000x16xf32, #tpu.memory_space<hbm>> -> memref<100000x16xf32, #tpu.memory_space<hbm>>
        tpu.enqueue_indirect_dma source(%dma_start3A_179 : memref<100000x16xf32, #tpu.memory_space<hbm>>) target(%dma_start3A_169 : memref<512x16xf32, #tpu.memory_space<vmem>>) offsets(%dma_start3A_172 : memref<512xi32, #tpu.memory_space<vmem>>) semaphore(%arg8 : memref<!tpu.dma_semaphore, #tpu.memory_space<semaphore_mem>>)
      } else {
      }
      %scan3A_145 = arith.constant 0 : i32
      scf.yield %scan3A_145 : i32
    }
    %scan3A_44 = arith.constant 13 : i32
    %dma_wait3A = arith.constant 0 : i32
    %dma_wait3A_45 = arith.constant 0 : i32
    %dma_wait3A_46 = arith.constant 0 : i32
    %dma_wait3A_47 = tpu.memref_slice %arg6[%dma_wait3A, %dma_wait3A_45, %dma_wait3A_46] : memref<2x512x16xf32, #tpu.memory_space<vmem>> -> memref<1x512x16xf32, #tpu.memory_space<vmem>>
    %dma_wait3A_48 = tpu.memref_squeeze %dma_wait3A_47 : memref<1x512x16xf32, #tpu.memory_space<vmem>> -> memref<512x16xf32, #tpu.memory_space<vmem>>
    %dma_wait3A_49 = arith.constant 384 : i32
    %dma_wait3A_50 = tpu.memref_slice %arg4[%mul3A_2, %dma_wait3A_49] : memref<16384x416xf32, #tpu.memory_space<hbm>> -> memref<512x16xf32, #tpu.memory_space<hbm>>
    %dma_wait3A_51 = arith.constant 384 : i32
    %dma_wait3A_52 = tpu.memref_slice %arg4[%mul3A_2, %dma_wait3A_51] : memref<16384x416xf32, #tpu.memory_space<hbm>> -> memref<512x16xf32, #tpu.memory_space<hbm>>
    %dma_wait3A_53 = arith.constant 0 : i32
    %dma_wait3A_54 = arith.constant 0 : i32
    %dma_wait3A_55 = tpu.memref_slice %arg6[%dma_wait3A, %dma_wait3A_53, %dma_wait3A_54] : memref<2x512x16xf32, #tpu.memory_space<vmem>> -> memref<1x512x16xf32, #tpu.memory_space<vmem>>
    %dma_wait3A_56 = tpu.memref_squeeze %dma_wait3A_55 : memref<1x512x16xf32, #tpu.memory_space<vmem>> -> memref<512x16xf32, #tpu.memory_space<vmem>>
    tpu.wait_dma2 semaphore(%arg9 : memref<!tpu.dma_semaphore, #tpu.memory_space<semaphore_mem>>) src(%dma_wait3A_56 : memref<512x16xf32, #tpu.memory_space<vmem>>) dst(%dma_wait3A_52 : memref<512x16xf32, #tpu.memory_space<hbm>>)
    %dma_wait3A_57 = arith.constant 1 : i32
    %dma_wait3A_58 = arith.constant 0 : i32
    %dma_wait3A_59 = arith.constant 0 : i32
    %dma_wait3A_60 = tpu.memref_slice %arg6[%dma_wait3A_57, %dma_wait3A_58, %dma_wait3A_59] : memref<2x512x16xf32, #tpu.memory_space<vmem>> -> memref<1x512x16xf32, #tpu.memory_space<vmem>>
    %dma_wait3A_61 = tpu.memref_squeeze %dma_wait3A_60 : memref<1x512x16xf32, #tpu.memory_space<vmem>> -> memref<512x16xf32, #tpu.memory_space<vmem>>
    %dma_wait3A_62 = arith.constant 400 : i32
    %dma_wait3A_63 = tpu.memref_slice %arg4[%mul3A_2, %dma_wait3A_62] : memref<16384x416xf32, #tpu.memory_space<hbm>> -> memref<512x16xf32, #tpu.memory_space<hbm>>
    %dma_wait3A_64 = arith.constant 400 : i32
    %dma_wait3A_65 = tpu.memref_slice %arg4[%mul3A_2, %dma_wait3A_64] : memref<16384x416xf32, #tpu.memory_space<hbm>> -> memref<512x16xf32, #tpu.memory_space<hbm>>
    %dma_wait3A_66 = arith.constant 0 : i32
    %dma_wait3A_67 = arith.constant 0 : i32
    %dma_wait3A_68 = tpu.memref_slice %arg6[%dma_wait3A_57, %dma_wait3A_66, %dma_wait3A_67] : memref<2x512x16xf32, #tpu.memory_space<vmem>> -> memref<1x512x16xf32, #tpu.memory_space<vmem>>
    %dma_wait3A_69 = tpu.memref_squeeze %dma_wait3A_68 : memref<1x512x16xf32, #tpu.memory_space<vmem>> -> memref<512x16xf32, #tpu.memory_space<vmem>>
    tpu.wait_dma2 semaphore(%arg10 : memref<!tpu.dma_semaphore, #tpu.memory_space<semaphore_mem>>) src(%dma_wait3A_69 : memref<512x16xf32, #tpu.memory_space<vmem>>) dst(%dma_wait3A_65 : memref<512x16xf32, #tpu.memory_space<hbm>>)
    return
  }
}

module attributes {stable_mosaic.version = 14 : i64} {
  func.func @_tc_body(%arg0: i32, %arg1: memref<13x256xf32, #tpu.memory_space<vmem>>, %arg2: memref<256x416xf32, #tpu.memory_space<vmem>>, %arg3: memref<754x754xf32, #tpu.memory_space<vmem>>, %arg4: memref<754x1xf32, #tpu.memory_space<vmem>>, %arg5: memref<1x754xf32, #tpu.memory_space<vmem>>, %arg6: memref<1x1xf32, #tpu.memory_space<vmem>>, %arg7: memref<1x256xf32, #tpu.memory_space<vmem>>) attributes {dimension_semantics = [#tpu.dimension_semantics<arbitrary>], iteration_bounds = array<i64: 64>, scalar_prefetch = 0 : i64, scratch_operands = 0 : i64, tpu.core_type = #tpu.core_type<tc>, window_params = [{transform_indices = @transform_0, window_bounds = array<i64: 13, 256>}, {transform_indices = @transform_1, window_bounds = array<i64: 256, 416>}, {pipeline_mode = #tpu.pipeline_mode<synchronous>, transform_indices = @transform_2, window_bounds = array<i64: 754, 754>}, {pipeline_mode = #tpu.pipeline_mode<synchronous>, transform_indices = @transform_3, window_bounds = array<i64: 754, 1>}, {pipeline_mode = #tpu.pipeline_mode<synchronous>, transform_indices = @transform_4, window_bounds = array<i64: 1, 754>}, {pipeline_mode = #tpu.pipeline_mode<synchronous>, transform_indices = @transform_5, window_bounds = array<i64: 1, 1>}, {transform_indices = @transform_6, window_bounds = array<i64: 1, 256>}]} {
    %get3A = arith.constant 0 : index
    %get3A_0 = arith.constant 0 : index
    %get3A_1 = vector.load %arg2[%get3A, %get3A_0] : memref<256x416xf32, #tpu.memory_space<vmem>>, vector<256x416xf32>
    %transpose3A = tpu.transpose %get3A_1, [1, 0] : vector<256x416xf32> -> vector<416x256xf32>
    %get3A_2 = arith.constant 0 : index
    %get3A_3 = arith.constant 0 : index
    %get3A_4 = vector.load %arg1[%get3A_2, %get3A_3] : memref<13x256xf32, #tpu.memory_space<vmem>>, vector<13x256xf32>
    %slice3A = vector.extract_strided_slice %transpose3A {offsets = [0, 0], sizes = [400, 256], strides = [1, 1]} : vector<416x256xf32> to vector<400x256xf32>
    %slice3A_5 = vector.extract_strided_slice %transpose3A {offsets = [16, 0], sizes = [400, 256], strides = [1, 1]} : vector<416x256xf32> to vector<400x256xf32>
    %mul3A = arith.mulf %slice3A, %slice3A_5 : vector<400x256xf32>
    %reshape3A = vector.shape_cast %mul3A : vector<400x256xf32> to vector<25x16x256xf32>
    %reduce_sum3A = arith.constant dense<0.000000e+00> : vector<25x256xf32>
    %reduce_sum3A_6 = vector.multi_reduction <add>, %reshape3A, %reduce_sum3A [1] : vector<25x16x256xf32> to vector<25x256xf32>
    %slice3A_7 = vector.extract_strided_slice %transpose3A {offsets = [0, 0], sizes = [384, 256], strides = [1, 1]} : vector<416x256xf32> to vector<384x256xf32>
    %slice3A_8 = vector.extract_strided_slice %transpose3A {offsets = [32, 0], sizes = [384, 256], strides = [1, 1]} : vector<416x256xf32> to vector<384x256xf32>
    %mul3A_9 = arith.mulf %slice3A_7, %slice3A_8 : vector<384x256xf32>
    %reshape3A_10 = vector.shape_cast %mul3A_9 : vector<384x256xf32> to vector<24x16x256xf32>
    %reduce_sum3A_11 = arith.constant dense<0.000000e+00> : vector<24x256xf32>
    %reduce_sum3A_12 = vector.multi_reduction <add>, %reshape3A_10, %reduce_sum3A_11 [1] : vector<24x16x256xf32> to vector<24x256xf32>
    %slice3A_13 = vector.extract_strided_slice %transpose3A {offsets = [0, 0], sizes = [368, 256], strides = [1, 1]} : vector<416x256xf32> to vector<368x256xf32>
    %slice3A_14 = vector.extract_strided_slice %transpose3A {offsets = [48, 0], sizes = [368, 256], strides = [1, 1]} : vector<416x256xf32> to vector<368x256xf32>
    %mul3A_15 = arith.mulf %slice3A_13, %slice3A_14 : vector<368x256xf32>
    %reshape3A_16 = vector.shape_cast %mul3A_15 : vector<368x256xf32> to vector<23x16x256xf32>
    %reduce_sum3A_17 = arith.constant dense<0.000000e+00> : vector<23x256xf32>
    %reduce_sum3A_18 = vector.multi_reduction <add>, %reshape3A_16, %reduce_sum3A_17 [1] : vector<23x16x256xf32> to vector<23x256xf32>
    %slice3A_19 = vector.extract_strided_slice %transpose3A {offsets = [0, 0], sizes = [352, 256], strides = [1, 1]} : vector<416x256xf32> to vector<352x256xf32>
    %slice3A_20 = vector.extract_strided_slice %transpose3A {offsets = [64, 0], sizes = [352, 256], strides = [1, 1]} : vector<416x256xf32> to vector<352x256xf32>
    %mul3A_21 = arith.mulf %slice3A_19, %slice3A_20 : vector<352x256xf32>
    %reshape3A_22 = vector.shape_cast %mul3A_21 : vector<352x256xf32> to vector<22x16x256xf32>
    %reduce_sum3A_23 = arith.constant dense<0.000000e+00> : vector<22x256xf32>
    %reduce_sum3A_24 = vector.multi_reduction <add>, %reshape3A_22, %reduce_sum3A_23 [1] : vector<22x16x256xf32> to vector<22x256xf32>
    %slice3A_25 = vector.extract_strided_slice %transpose3A {offsets = [0, 0], sizes = [336, 256], strides = [1, 1]} : vector<416x256xf32> to vector<336x256xf32>
    %slice3A_26 = vector.extract_strided_slice %transpose3A {offsets = [80, 0], sizes = [336, 256], strides = [1, 1]} : vector<416x256xf32> to vector<336x256xf32>
    %mul3A_27 = arith.mulf %slice3A_25, %slice3A_26 : vector<336x256xf32>
    %reshape3A_28 = vector.shape_cast %mul3A_27 : vector<336x256xf32> to vector<21x16x256xf32>
    %reduce_sum3A_29 = arith.constant dense<0.000000e+00> : vector<21x256xf32>
    %reduce_sum3A_30 = vector.multi_reduction <add>, %reshape3A_28, %reduce_sum3A_29 [1] : vector<21x16x256xf32> to vector<21x256xf32>
    %slice3A_31 = vector.extract_strided_slice %transpose3A {offsets = [0, 0], sizes = [320, 256], strides = [1, 1]} : vector<416x256xf32> to vector<320x256xf32>
    %slice3A_32 = vector.extract_strided_slice %transpose3A {offsets = [96, 0], sizes = [320, 256], strides = [1, 1]} : vector<416x256xf32> to vector<320x256xf32>
    %mul3A_33 = arith.mulf %slice3A_31, %slice3A_32 : vector<320x256xf32>
    %reshape3A_34 = vector.shape_cast %mul3A_33 : vector<320x256xf32> to vector<20x16x256xf32>
    %reduce_sum3A_35 = arith.constant dense<0.000000e+00> : vector<20x256xf32>
    %reduce_sum3A_36 = vector.multi_reduction <add>, %reshape3A_34, %reduce_sum3A_35 [1] : vector<20x16x256xf32> to vector<20x256xf32>
    %slice3A_37 = vector.extract_strided_slice %transpose3A {offsets = [0, 0], sizes = [304, 256], strides = [1, 1]} : vector<416x256xf32> to vector<304x256xf32>
    %slice3A_38 = vector.extract_strided_slice %transpose3A {offsets = [112, 0], sizes = [304, 256], strides = [1, 1]} : vector<416x256xf32> to vector<304x256xf32>
    %mul3A_39 = arith.mulf %slice3A_37, %slice3A_38 : vector<304x256xf32>
    %reshape3A_40 = vector.shape_cast %mul3A_39 : vector<304x256xf32> to vector<19x16x256xf32>
    %reduce_sum3A_41 = arith.constant dense<0.000000e+00> : vector<19x256xf32>
    %reduce_sum3A_42 = vector.multi_reduction <add>, %reshape3A_40, %reduce_sum3A_41 [1] : vector<19x16x256xf32> to vector<19x256xf32>
    %slice3A_43 = vector.extract_strided_slice %transpose3A {offsets = [0, 0], sizes = [288, 256], strides = [1, 1]} : vector<416x256xf32> to vector<288x256xf32>
    %slice3A_44 = vector.extract_strided_slice %transpose3A {offsets = [128, 0], sizes = [288, 256], strides = [1, 1]} : vector<416x256xf32> to vector<288x256xf32>
    %mul3A_45 = arith.mulf %slice3A_43, %slice3A_44 : vector<288x256xf32>
    %reshape3A_46 = vector.shape_cast %mul3A_45 : vector<288x256xf32> to vector<18x16x256xf32>
    %reduce_sum3A_47 = arith.constant dense<0.000000e+00> : vector<18x256xf32>
    %reduce_sum3A_48 = vector.multi_reduction <add>, %reshape3A_46, %reduce_sum3A_47 [1] : vector<18x16x256xf32> to vector<18x256xf32>
    %slice3A_49 = vector.extract_strided_slice %transpose3A {offsets = [0, 0], sizes = [272, 256], strides = [1, 1]} : vector<416x256xf32> to vector<272x256xf32>
    %slice3A_50 = vector.extract_strided_slice %transpose3A {offsets = [144, 0], sizes = [272, 256], strides = [1, 1]} : vector<416x256xf32> to vector<272x256xf32>
    %mul3A_51 = arith.mulf %slice3A_49, %slice3A_50 : vector<272x256xf32>
    %reshape3A_52 = vector.shape_cast %mul3A_51 : vector<272x256xf32> to vector<17x16x256xf32>
    %reduce_sum3A_53 = arith.constant dense<0.000000e+00> : vector<17x256xf32>
    %reduce_sum3A_54 = vector.multi_reduction <add>, %reshape3A_52, %reduce_sum3A_53 [1] : vector<17x16x256xf32> to vector<17x256xf32>
    %slice3A_55 = vector.extract_strided_slice %transpose3A {offsets = [0, 0], sizes = [256, 256], strides = [1, 1]} : vector<416x256xf32> to vector<256x256xf32>
    %slice3A_56 = vector.extract_strided_slice %transpose3A {offsets = [160, 0], sizes = [256, 256], strides = [1, 1]} : vector<416x256xf32> to vector<256x256xf32>
    %mul3A_57 = arith.mulf %slice3A_55, %slice3A_56 : vector<256x256xf32>
    %reshape3A_58 = vector.shape_cast %mul3A_57 : vector<256x256xf32> to vector<16x16x256xf32>
    %reduce_sum3A_59 = arith.constant dense<0.000000e+00> : vector<16x256xf32>
    %reduce_sum3A_60 = vector.multi_reduction <add>, %reshape3A_58, %reduce_sum3A_59 [1] : vector<16x16x256xf32> to vector<16x256xf32>
    %slice3A_61 = vector.extract_strided_slice %transpose3A {offsets = [0, 0], sizes = [240, 256], strides = [1, 1]} : vector<416x256xf32> to vector<240x256xf32>
    %slice3A_62 = vector.extract_strided_slice %transpose3A {offsets = [176, 0], sizes = [240, 256], strides = [1, 1]} : vector<416x256xf32> to vector<240x256xf32>
    %mul3A_63 = arith.mulf %slice3A_61, %slice3A_62 : vector<240x256xf32>
    %reshape3A_64 = vector.shape_cast %mul3A_63 : vector<240x256xf32> to vector<15x16x256xf32>
    %reduce_sum3A_65 = arith.constant dense<0.000000e+00> : vector<15x256xf32>
    %reduce_sum3A_66 = vector.multi_reduction <add>, %reshape3A_64, %reduce_sum3A_65 [1] : vector<15x16x256xf32> to vector<15x256xf32>
    %slice3A_67 = vector.extract_strided_slice %transpose3A {offsets = [0, 0], sizes = [224, 256], strides = [1, 1]} : vector<416x256xf32> to vector<224x256xf32>
    %slice3A_68 = vector.extract_strided_slice %transpose3A {offsets = [192, 0], sizes = [224, 256], strides = [1, 1]} : vector<416x256xf32> to vector<224x256xf32>
    %mul3A_69 = arith.mulf %slice3A_67, %slice3A_68 : vector<224x256xf32>
    %reshape3A_70 = vector.shape_cast %mul3A_69 : vector<224x256xf32> to vector<14x16x256xf32>
    %reduce_sum3A_71 = arith.constant dense<0.000000e+00> : vector<14x256xf32>
    %reduce_sum3A_72 = vector.multi_reduction <add>, %reshape3A_70, %reduce_sum3A_71 [1] : vector<14x16x256xf32> to vector<14x256xf32>
    %slice3A_73 = vector.extract_strided_slice %transpose3A {offsets = [0, 0], sizes = [208, 256], strides = [1, 1]} : vector<416x256xf32> to vector<208x256xf32>
    %slice3A_74 = vector.extract_strided_slice %transpose3A {offsets = [208, 0], sizes = [208, 256], strides = [1, 1]} : vector<416x256xf32> to vector<208x256xf32>
    %mul3A_75 = arith.mulf %slice3A_73, %slice3A_74 : vector<208x256xf32>
    %reshape3A_76 = vector.shape_cast %mul3A_75 : vector<208x256xf32> to vector<13x16x256xf32>
    %reduce_sum3A_77 = arith.constant dense<0.000000e+00> : vector<13x256xf32>
    %reduce_sum3A_78 = vector.multi_reduction <add>, %reshape3A_76, %reduce_sum3A_77 [1] : vector<13x16x256xf32> to vector<13x256xf32>
    %slice3A_79 = vector.extract_strided_slice %transpose3A {offsets = [0, 0], sizes = [192, 256], strides = [1, 1]} : vector<416x256xf32> to vector<192x256xf32>
    %slice3A_80 = vector.extract_strided_slice %transpose3A {offsets = [224, 0], sizes = [192, 256], strides = [1, 1]} : vector<416x256xf32> to vector<192x256xf32>
    %mul3A_81 = arith.mulf %slice3A_79, %slice3A_80 : vector<192x256xf32>
    %reshape3A_82 = vector.shape_cast %mul3A_81 : vector<192x256xf32> to vector<12x16x256xf32>
    %reduce_sum3A_83 = arith.constant dense<0.000000e+00> : vector<12x256xf32>
    %reduce_sum3A_84 = vector.multi_reduction <add>, %reshape3A_82, %reduce_sum3A_83 [1] : vector<12x16x256xf32> to vector<12x256xf32>
    %slice3A_85 = vector.extract_strided_slice %transpose3A {offsets = [0, 0], sizes = [176, 256], strides = [1, 1]} : vector<416x256xf32> to vector<176x256xf32>
    %slice3A_86 = vector.extract_strided_slice %transpose3A {offsets = [240, 0], sizes = [176, 256], strides = [1, 1]} : vector<416x256xf32> to vector<176x256xf32>
    %mul3A_87 = arith.mulf %slice3A_85, %slice3A_86 : vector<176x256xf32>
    %reshape3A_88 = vector.shape_cast %mul3A_87 : vector<176x256xf32> to vector<11x16x256xf32>
    %reduce_sum3A_89 = arith.constant dense<0.000000e+00> : vector<11x256xf32>
    %reduce_sum3A_90 = vector.multi_reduction <add>, %reshape3A_88, %reduce_sum3A_89 [1] : vector<11x16x256xf32> to vector<11x256xf32>
    %slice3A_91 = vector.extract_strided_slice %transpose3A {offsets = [0, 0], sizes = [160, 256], strides = [1, 1]} : vector<416x256xf32> to vector<160x256xf32>
    %slice3A_92 = vector.extract_strided_slice %transpose3A {offsets = [256, 0], sizes = [160, 256], strides = [1, 1]} : vector<416x256xf32> to vector<160x256xf32>
    %mul3A_93 = arith.mulf %slice3A_91, %slice3A_92 : vector<160x256xf32>
    %reshape3A_94 = vector.shape_cast %mul3A_93 : vector<160x256xf32> to vector<10x16x256xf32>
    %reduce_sum3A_95 = arith.constant dense<0.000000e+00> : vector<10x256xf32>
    %reduce_sum3A_96 = vector.multi_reduction <add>, %reshape3A_94, %reduce_sum3A_95 [1] : vector<10x16x256xf32> to vector<10x256xf32>
    %slice3A_97 = vector.extract_strided_slice %transpose3A {offsets = [0, 0], sizes = [144, 256], strides = [1, 1]} : vector<416x256xf32> to vector<144x256xf32>
    %slice3A_98 = vector.extract_strided_slice %transpose3A {offsets = [272, 0], sizes = [144, 256], strides = [1, 1]} : vector<416x256xf32> to vector<144x256xf32>
    %mul3A_99 = arith.mulf %slice3A_97, %slice3A_98 : vector<144x256xf32>
    %reshape3A_100 = vector.shape_cast %mul3A_99 : vector<144x256xf32> to vector<9x16x256xf32>
    %reduce_sum3A_101 = arith.constant dense<0.000000e+00> : vector<9x256xf32>
    %reduce_sum3A_102 = vector.multi_reduction <add>, %reshape3A_100, %reduce_sum3A_101 [1] : vector<9x16x256xf32> to vector<9x256xf32>
    %slice3A_103 = vector.extract_strided_slice %transpose3A {offsets = [0, 0], sizes = [128, 256], strides = [1, 1]} : vector<416x256xf32> to vector<128x256xf32>
    %slice3A_104 = vector.extract_strided_slice %transpose3A {offsets = [288, 0], sizes = [128, 256], strides = [1, 1]} : vector<416x256xf32> to vector<128x256xf32>
    %mul3A_105 = arith.mulf %slice3A_103, %slice3A_104 : vector<128x256xf32>
    %reshape3A_106 = vector.shape_cast %mul3A_105 : vector<128x256xf32> to vector<8x16x256xf32>
    %reduce_sum3A_107 = arith.constant dense<0.000000e+00> : vector<8x256xf32>
    %reduce_sum3A_108 = vector.multi_reduction <add>, %reshape3A_106, %reduce_sum3A_107 [1] : vector<8x16x256xf32> to vector<8x256xf32>
    %slice3A_109 = vector.extract_strided_slice %transpose3A {offsets = [0, 0], sizes = [112, 256], strides = [1, 1]} : vector<416x256xf32> to vector<112x256xf32>
    %slice3A_110 = vector.extract_strided_slice %transpose3A {offsets = [304, 0], sizes = [112, 256], strides = [1, 1]} : vector<416x256xf32> to vector<112x256xf32>
    %mul3A_111 = arith.mulf %slice3A_109, %slice3A_110 : vector<112x256xf32>
    %reshape3A_112 = vector.shape_cast %mul3A_111 : vector<112x256xf32> to vector<7x16x256xf32>
    %reduce_sum3A_113 = arith.constant dense<0.000000e+00> : vector<7x256xf32>
    %reduce_sum3A_114 = vector.multi_reduction <add>, %reshape3A_112, %reduce_sum3A_113 [1] : vector<7x16x256xf32> to vector<7x256xf32>
    %slice3A_115 = vector.extract_strided_slice %transpose3A {offsets = [0, 0], sizes = [96, 256], strides = [1, 1]} : vector<416x256xf32> to vector<96x256xf32>
    %slice3A_116 = vector.extract_strided_slice %transpose3A {offsets = [320, 0], sizes = [96, 256], strides = [1, 1]} : vector<416x256xf32> to vector<96x256xf32>
    %mul3A_117 = arith.mulf %slice3A_115, %slice3A_116 : vector<96x256xf32>
    %reshape3A_118 = vector.shape_cast %mul3A_117 : vector<96x256xf32> to vector<6x16x256xf32>
    %reduce_sum3A_119 = arith.constant dense<0.000000e+00> : vector<6x256xf32>
    %reduce_sum3A_120 = vector.multi_reduction <add>, %reshape3A_118, %reduce_sum3A_119 [1] : vector<6x16x256xf32> to vector<6x256xf32>
    %slice3A_121 = vector.extract_strided_slice %transpose3A {offsets = [0, 0], sizes = [80, 256], strides = [1, 1]} : vector<416x256xf32> to vector<80x256xf32>
    %slice3A_122 = vector.extract_strided_slice %transpose3A {offsets = [336, 0], sizes = [80, 256], strides = [1, 1]} : vector<416x256xf32> to vector<80x256xf32>
    %mul3A_123 = arith.mulf %slice3A_121, %slice3A_122 : vector<80x256xf32>
    %reshape3A_124 = vector.shape_cast %mul3A_123 : vector<80x256xf32> to vector<5x16x256xf32>
    %reduce_sum3A_125 = arith.constant dense<0.000000e+00> : vector<5x256xf32>
    %reduce_sum3A_126 = vector.multi_reduction <add>, %reshape3A_124, %reduce_sum3A_125 [1] : vector<5x16x256xf32> to vector<5x256xf32>
    %slice3A_127 = vector.extract_strided_slice %transpose3A {offsets = [0, 0], sizes = [64, 256], strides = [1, 1]} : vector<416x256xf32> to vector<64x256xf32>
    %slice3A_128 = vector.extract_strided_slice %transpose3A {offsets = [352, 0], sizes = [64, 256], strides = [1, 1]} : vector<416x256xf32> to vector<64x256xf32>
    %mul3A_129 = arith.mulf %slice3A_127, %slice3A_128 : vector<64x256xf32>
    %reshape3A_130 = vector.shape_cast %mul3A_129 : vector<64x256xf32> to vector<4x16x256xf32>
    %reduce_sum3A_131 = arith.constant dense<0.000000e+00> : vector<4x256xf32>
    %reduce_sum3A_132 = vector.multi_reduction <add>, %reshape3A_130, %reduce_sum3A_131 [1] : vector<4x16x256xf32> to vector<4x256xf32>
    %slice3A_133 = vector.extract_strided_slice %transpose3A {offsets = [0, 0], sizes = [48, 256], strides = [1, 1]} : vector<416x256xf32> to vector<48x256xf32>
    %slice3A_134 = vector.extract_strided_slice %transpose3A {offsets = [368, 0], sizes = [48, 256], strides = [1, 1]} : vector<416x256xf32> to vector<48x256xf32>
    %mul3A_135 = arith.mulf %slice3A_133, %slice3A_134 : vector<48x256xf32>
    %reshape3A_136 = vector.shape_cast %mul3A_135 : vector<48x256xf32> to vector<3x16x256xf32>
    %reduce_sum3A_137 = arith.constant dense<0.000000e+00> : vector<3x256xf32>
    %reduce_sum3A_138 = vector.multi_reduction <add>, %reshape3A_136, %reduce_sum3A_137 [1] : vector<3x16x256xf32> to vector<3x256xf32>
    %slice3A_139 = vector.extract_strided_slice %transpose3A {offsets = [0, 0], sizes = [32, 256], strides = [1, 1]} : vector<416x256xf32> to vector<32x256xf32>
    %slice3A_140 = vector.extract_strided_slice %transpose3A {offsets = [384, 0], sizes = [32, 256], strides = [1, 1]} : vector<416x256xf32> to vector<32x256xf32>
    %mul3A_141 = arith.mulf %slice3A_139, %slice3A_140 : vector<32x256xf32>
    %reshape3A_142 = vector.shape_cast %mul3A_141 : vector<32x256xf32> to vector<2x16x256xf32>
    %reduce_sum3A_143 = arith.constant dense<0.000000e+00> : vector<2x256xf32>
    %reduce_sum3A_144 = vector.multi_reduction <add>, %reshape3A_142, %reduce_sum3A_143 [1] : vector<2x16x256xf32> to vector<2x256xf32>
    %slice3A_145 = vector.extract_strided_slice %transpose3A {offsets = [0, 0], sizes = [16, 256], strides = [1, 1]} : vector<416x256xf32> to vector<16x256xf32>
    %slice3A_146 = vector.extract_strided_slice %transpose3A {offsets = [400, 0], sizes = [16, 256], strides = [1, 1]} : vector<416x256xf32> to vector<16x256xf32>
    %mul3A_147 = arith.mulf %slice3A_145, %slice3A_146 : vector<16x256xf32>
    %reshape3A_148 = vector.shape_cast %mul3A_147 : vector<16x256xf32> to vector<1x16x256xf32>
    %reduce_sum3A_149 = arith.constant dense<0.000000e+00> : vector<1x256xf32>
    %reduce_sum3A_150 = vector.multi_reduction <add>, %reshape3A_148, %reduce_sum3A_149 [1] : vector<1x16x256xf32> to vector<1x256xf32>
    %concatenate3A = tpu.concatenate %reduce_sum3A_6, %reduce_sum3A_12, %reduce_sum3A_18, %reduce_sum3A_24, %reduce_sum3A_30, %reduce_sum3A_36, %reduce_sum3A_42, %reduce_sum3A_48, %reduce_sum3A_54, %reduce_sum3A_60, %reduce_sum3A_66, %reduce_sum3A_72, %reduce_sum3A_78, %reduce_sum3A_84, %reduce_sum3A_90, %reduce_sum3A_96, %reduce_sum3A_102, %reduce_sum3A_108, %reduce_sum3A_114, %reduce_sum3A_120, %reduce_sum3A_126, %reduce_sum3A_132, %reduce_sum3A_138, %reduce_sum3A_144, %reduce_sum3A_150 in 0 : vector<25x256xf32>, vector<24x256xf32>, vector<23x256xf32>, vector<22x256xf32>, vector<21x256xf32>, vector<20x256xf32>, vector<19x256xf32>, vector<18x256xf32>, vector<17x256xf32>, vector<16x256xf32>, vector<15x256xf32>, vector<14x256xf32>, vector<13x256xf32>, vector<12x256xf32>, vector<11x256xf32>, vector<10x256xf32>, vector<9x256xf32>, vector<8x256xf32>, vector<7x256xf32>, vector<6x256xf32>, vector<5x256xf32>, vector<4x256xf32>, vector<3x256xf32>, vector<2x256xf32>, vector<1x256xf32> -> vector<325x256xf32>
    %concatenate3A_151 = tpu.concatenate %get3A_4, %transpose3A, %concatenate3A in 0 : vector<13x256xf32>, vector<416x256xf32>, vector<325x256xf32> -> vector<754x256xf32>
    %get3A_152 = arith.constant 0 : index
    %get3A_153 = arith.constant 0 : index
    %get3A_154 = vector.load %arg3[%get3A_152, %get3A_153] : memref<754x754xf32, #tpu.memory_space<vmem>>, vector<754x754xf32>
    %dot_general3A = arith.constant dense<0.000000e+00> : vector<754x256xf32>
    %dot_general3A_155 = tpu.matmul %get3A_154, %concatenate3A_151, %dot_general3A {dimension_numbers = #tpu.dot_dimension_numbers<[1], [0], [0], [1], [0, 0, 1, 1], [], []>, transpose_lhs_hint = false} : vector<754x754xf32>, vector<754x256xf32>, vector<754x256xf32> -> vector<754x256xf32>
    %get3A_156 = arith.constant 0 : index
    %get3A_157 = arith.constant 0 : index
    %get3A_158 = vector.load %arg4[%get3A_156, %get3A_157] : memref<754x1xf32, #tpu.memory_space<vmem>>, vector<754x1xf32>
    %add3A = vector.broadcast %get3A_158 : vector<754x1xf32> to vector<754x256xf32>
    %add3A_159 = arith.addf %dot_general3A_155, %add3A : vector<754x256xf32>
    %max3A = arith.constant 0.000000e+00 : f32
    %max3A_160 = vector.broadcast %max3A : f32 to vector<754x256xf32>
    %max3A_161 = arith.maximumf %add3A_159, %max3A_160 : vector<754x256xf32>
    %get3A_162 = arith.constant 0 : index
    %get3A_163 = arith.constant 0 : index
    %get3A_164 = vector.load %arg5[%get3A_162, %get3A_163] : memref<1x754xf32, #tpu.memory_space<vmem>>, vector<1x754xf32>
    %dot_general3A_165 = arith.constant dense<0.000000e+00> : vector<1x256xf32>
    %dot_general3A_166 = tpu.matmul %get3A_164, %max3A_161, %dot_general3A_165 {dimension_numbers = #tpu.dot_dimension_numbers<[1], [0], [0], [1], [0, 0, 1, 1], [], []>, transpose_lhs_hint = false} : vector<1x754xf32>, vector<754x256xf32>, vector<1x256xf32> -> vector<1x256xf32>
    %get3A_167 = arith.constant 0 : index
    %get3A_168 = arith.constant 0 : index
    %get3A_169 = vector.load %arg6[%get3A_167, %get3A_168] : memref<1x1xf32, #tpu.memory_space<vmem>>, vector<1x1xf32>
    %add3A_170 = vector.broadcast %get3A_169 : vector<1x1xf32> to vector<1x256xf32>
    %add3A_171 = arith.addf %dot_general3A_166, %add3A_170 : vector<1x256xf32>
    %logistic3A = arith.negf %add3A_171 : vector<1x256xf32>
    %logistic3A_172 = math.exp %logistic3A : vector<1x256xf32>
    %logistic3A_173 = arith.constant 1.000000e+00 : f32
    %logistic3A_174 = vector.broadcast %logistic3A_173 : f32 to vector<1x256xf32>
    %logistic3A_175 = arith.addf %logistic3A_174, %logistic3A_172 : vector<1x256xf32>
    %logistic3A_176 = arith.divf %logistic3A_174, %logistic3A_175 : vector<1x256xf32>
    %swap3A = arith.constant 0 : index
    %swap3A_177 = arith.constant 0 : index
    %swap3A_178 = vector.load %arg7[%swap3A, %swap3A_177] : memref<1x256xf32, #tpu.memory_space<vmem>>, vector<1x256xf32>
    tpu.vector_store %arg7[%swap3A, %swap3A_177], %logistic3A_176 {strides = array<i32>} : memref<1x256xf32, #tpu.memory_space<vmem>>, vector<1x256xf32>,
    return
  }
  func.func @transform_0(%arg0: i32) -> (i32, i32) {
    %c0_i32 = arith.constant 0 : i32
    %c0_i32_0 = arith.constant 0 : i32
    return %c0_i32, %arg0 : i32, i32
  }
  func.func @transform_1(%arg0: i32) -> (i32, i32) {
    %c0_i32 = arith.constant 0 : i32
    %c0_i32_0 = arith.constant 0 : i32
    return %arg0, %c0_i32 : i32, i32
  }
  func.func @transform_2(%arg0: i32) -> (i32, i32) {
    %c0_i32 = arith.constant 0 : i32
    %c0_i32_0 = arith.constant 0 : i32
    %c0_i32_1 = arith.constant 0 : i32
    return %c0_i32, %c0_i32_0 : i32, i32
  }
  func.func @transform_3(%arg0: i32) -> (i32, i32) {
    %c0_i32 = arith.constant 0 : i32
    %c0_i32_0 = arith.constant 0 : i32
    %c0_i32_1 = arith.constant 0 : i32
    return %c0_i32, %c0_i32_0 : i32, i32
  }
  func.func @transform_4(%arg0: i32) -> (i32, i32) {
    %c0_i32 = arith.constant 0 : i32
    %c0_i32_0 = arith.constant 0 : i32
    %c0_i32_1 = arith.constant 0 : i32
    return %c0_i32, %c0_i32_0 : i32, i32
  }
  func.func @transform_5(%arg0: i32) -> (i32, i32) {
    %c0_i32 = arith.constant 0 : i32
    %c0_i32_0 = arith.constant 0 : i32
    %c0_i32_1 = arith.constant 0 : i32
    return %c0_i32, %c0_i32_0 : i32, i32
  }
  func.func @transform_6(%arg0: i32) -> (i32, i32) {
    %c0_i32 = arith.constant 0 : i32
    %c0_i32_0 = arith.constant 0 : i32
    return %c0_i32, %arg0 : i32, i32
  }
}

</mosaic_0001>

<sc_bundles>
// kernel: kernel.4.cloned.1.call-start
scs
__scs_entry_jumppad:
0x0: {  	(pc) =	sbr.rel $0x88, $3  }
0x1: {  	(tag) =	ssettag $0x0;
	lr =	simm.s32 $0x1  }
0x2: {  	[smem:$0x3F9B] =	sst lr;
	_ =	strace $0xD0000000  }
0x3: {  	_ = 	snop  }
0x4: {  	_ = 	snop  }
0x5: {  	_ = 	snop  }
0x6: {  	_ = 	snop  }
0x7: {  	_ = 	snop  }
__scs_overlays_trampoline_lowered:
0x8: {  	[smem:$0x3FAA] =	sst s0  }
0x9: {  	[smem:$0x3FAB] =	sst s1  }
0xa: {  	[smem:$0x3FAC] =	sst s2  }
0xb: {  	[smem:$0x3FAD] =	sst s3  }
0xc: {  	[smem:$0x3FAE] =	sst s4  }
0xd: {  	[smem:$0x3FAF] =	sst s5  }
0xe: {  	[smem:$0x3FB0] =	sst s6  }
0xf: {  	[smem:$0x3FB1] =	sst s7  }
0x10: {  	[smem:$0x3FB2] =	sst s8  }
0x11: {  	[smem:$0x3FB3] =	sst s9;
	s0 =	simm.s32 @!p0 $0x0  }
0x12: {  	s1 =	sld [smem:$0x3F99];
	s0 =	simm.s32 @p0 $0x1  }
0x13: {  	[smem:$0x3FB4] =	sst s0;
	s0 =	simm.s32 @!p1 $0x0  }
0x14: {  	s2 =	sld [smem:$0x3F98];
	s0 =	simm.s32 @p1 $0x1  }
0x15: {  	[smem:$0x3FB5] =	sst s0;
	s0 =	simm.s32 @!p2 $0x0  }
0x16: {  	s3 =	sld [smem:$0x3FDB];
	s0 =	simm.s32 @p2 $0x1  }
0x17: {  	s4 =	simm.s32 $0x1BF5;
	[smem:$0x3FB7] =	sst s0  }
0x18: {  	s0 =	sld [smem:$0x3F9A];
	_ =	swait.ge [sflag:s4], $0x0  }
0x19: {  	s7 =	sld [smem:$0x3F9B]  }
0x1a: {  	s8 =	sadd.s32 $0xFFFFE003, lr  }
0x1b: {  	s9 =	sadd.s32 $0xFFFFFEF7, lr;
	s5 =	simm.s32 $0xFFFFFFFF;
	p2 =	slt.u32 s8, $0xFFFFF086  }
0x1c: {  	p1 =	slt.u32 s9, $0xF7A;
	s5 =	simm.s32 @!p2 $0x0  }
0x1d: {  	s5 =	simm.s32 @p1 $0x1;
	p0 =	seq.s32 s7, s2  }
0x1e: {  	s7 =	smul.u32 @!p0 $0xF7A, s2;
	p2 =	seq.s32 @!p0 s5, $0x0  }
0x1f: {  	s9 =	smul.u32 $0xF7A, s1;
	s8 =	simm.s32 @!p0 $0x1BF5;
	p2 =	por !p2, p0  }
0x20: {  	[sflag:s8] =	ssyncset.s32 @!p0 $0xFFFFF086;
	s6 =	sadd.s32 @!p0 s3, s7;
	s7 =	simm.s32 @!p0 $0x108  }
0x21: {  	s3 =	sadd.s32 s3, s9;
	s6 =	sadd.s32 @!p0 $0x88, s6;
	s7 =	simm.s32 @p2 $0x1082  }
0x22: {  	[simem:s7], [sflag:s8] =	dma.local @!p0 [hbm:s6], $0xF7A  }
0x23: {  	s9 =	sor.u32 $0xD0000000, s2;
	s6 =	simm.s32 $0x108;
	_ =	swait.ge @!p0 [sflag:s8], $0x0  }
0x24: {  	s3 =	sadd.s32 $0x88, s3;
	s6 =	simm.s32 @!p1 $0x1082;
	[sflag:s4] =	ssyncset.s32 $0xFFFFF086  }
0x25: {  	[simem:s6], [sflag:s4] =	dma.local [hbm:s3], $0xF7A  }
0x26: {  	[smem:$0x3F9B] =	sst s1;
	(tag) =	ssettag s2;
	_ =	strace s9  }
0x27: {  	s1 =	sld [smem:$0x3FAB]  }
0x28: {  	s2 =	sld [smem:$0x3FAC]  }
0x29: {  	s4 =	sld [smem:$0x3FAE]  }
0x2a: {  	p0 =	seq.s32 s5, $0x0;
	s5 =	sld [smem:$0x3FAF]  }
0x2b: {  	s6 =	sld [smem:$0x3FB0]  }
0x2c: {  	s7 =	sld [smem:$0x3FB1]  }
0x2d: {  	s3 =	simm.s32 $0x108;
	s8 =	sld [smem:$0x3FB2]  }
0x2e: {  	s3 =	simm.s32 @!p0 $0x1082;
	s9 =	sld [smem:$0x3FB3]  }
0x2f: {  	lr =	sadd.s32 s0, s3;
	s0 =	sld [smem:$0x3FAA]  }
0x30: {  	s3 =	sld [smem:$0x3FAD]  }
0x31: {  	[smem:$0x3FB6] =	sst s10  }
0x32: {  	s10 =	sld [smem:$0x3FB4];
	_ =	sdelay $0x3  }
0x33: {  	p0 =	seq.s32 s10, $0x1;
	s10 =	sld [smem:$0x3FB6];
	_ =	sdelay $0x3  }
0x34: {  	[smem:$0x3FB6] =	sst s10  }
0x35: {  	s10 =	sld [smem:$0x3FB5];
	_ =	sdelay $0x3  }
0x36: {  	p1 =	seq.s32 s10, $0x1;
	s10 =	sld [smem:$0x3FB6];
	_ =	sdelay $0x3  }
0x37: {  	[smem:$0x3FB6] =	sst s10  }
0x38: {  	s10 =	sld [smem:$0x3FB7]  }
0x39: {  	_ = 	snop;
	(pc) =	sbr.ind lr, $3  }
0x3a: {  	_ = 	snop  }
0x3b: {  	_ = 	snop  }
0x3c: {  	p2 =	seq.s32 s10, $0x1;
	s10 =	sld [smem:$0x3FB6]  }
0x3d: {  	_ =	shalt  }
0x3e: {  	_ =	shalt  }
0x3f: {  	_ =	shalt  }
0x40: {  	_ =	shalt  }
0x41: {  	_ =	shalt  }
0x42: {  	_ =	shalt  }
0x43: {  	_ =	shalt  }
0x44: {  	_ =	shalt  }
0x45: {  	_ =	shalt  }
0x46: {  	_ =	shalt  }
0x47: {  	_ =	shalt  }
0x48: {  	_ =	shalt  }
0x49: {  	_ =	shalt  }
0x4a: {  	_ =	shalt  }
0x4b: {  	_ =	shalt  }
0x4c: {  	_ =	shalt  }
0x4d: {  	_ =	shalt  }
0x4e: {  	_ =	shalt  }
0x4f: {  	_ =	shalt  }
0x50: {  	_ =	shalt  }
0x51: {  	_ =	shalt  }
0x52: {  	_ =	shalt  }
0x53: {  	_ =	shalt  }
0x54: {  	_ =	shalt  }
0x55: {  	_ =	shalt  }
0x56: {  	_ =	shalt  }
0x57: {  	_ =	shalt  }
0x58: {  	_ =	shalt  }
0x59: {  	_ =	shalt  }
0x5a: {  	_ =	shalt  }
0x5b: {  	_ =	shalt  }
0x5c: {  	_ =	shalt  }
0x5d: {  	_ =	shalt  }
0x5e: {  	_ =	shalt  }
0x5f: {  	_ =	shalt  }
0x60: {  	_ =	shalt  }
0x61: {  	_ =	shalt  }
0x62: {  	_ =	shalt  }
0x63: {  	_ =	shalt  }
0x64: {  	_ =	shalt  }
0x65: {  	_ =	shalt  }
0x66: {  	_ =	shalt  }
0x67: {  	_ =	shalt  }
0x68: {  	_ =	shalt  }
0x69: {  	_ =	shalt  }
0x6a: {  	_ =	shalt  }
0x6b: {  	_ =	shalt  }
0x6c: {  	_ =	shalt  }
0x6d: {  	_ =	shalt  }
0x6e: {  	_ =	shalt  }
0x6f: {  	_ =	shalt  }
0x70: {  	_ =	shalt  }
0x71: {  	_ =	shalt  }
0x72: {  	_ =	shalt  }
0x73: {  	_ =	shalt  }
0x74: {  	_ =	shalt  }
0x75: {  	_ =	shalt  }
0x76: {  	_ =	shalt  }
0x77: {  	_ =	shalt  }
0x78: {  	_ =	shalt  }
0x79: {  	_ =	shalt  }
0x7a: {  	_ =	shalt  }
0x7b: {  	_ =	shalt  }
0x7c: {  	_ =	shalt  }
0x7d: {  	_ =	shalt  }
0x7e: {  	_ =	shalt  }
0x7f: {  	_ =	shalt  }
0x80: {  	_ =	shalt  }
0x81: {  	_ =	shalt  }
0x82: {  	_ =	shalt  }
0x83: {  	_ =	shalt  }
0x84: {  	_ =	shalt  }
0x85: {  	_ =	shalt  }
0x86: {  	_ =	shalt  }
0x87: {  	_ =	shalt  }
.Lfunc_end0:
.L_simem_size_0:
called_computation_lowered:
.L_overlay_start_0:
0x88: {  	s2 =	sld [smem:$0x3FD9]  }
0x89: {  	s3 =	sld [smem:$0x3FFE];
	_ =	sdelay $0x1  }
0x8a: {  	s1 =	srdreg.scid  }
0x8b: {  	s0 =	sand.u32 $0x1, s1  }
0x8c: {  	s16 =	sshll.u32 s0, $0xA;
	s2 =	sadd.s32 s3, s2  }
0x8d: {  	s2 =	sadd.s32 s2, s16  }
0x8e: {  	[smem:$0x3FC2] =	sst s2  }
0x8f: {  	_ = 	snop  }
0x90: {  	(tm) =	ssettm $0x1  }
0x91: {  	s17 =	sld [smem:$0x3FFB];
	_ =	sdelay $0x3  }
0x92: {  	_ =	strace s17  }
0x93: {  	s2 =	sld [smem:$0x3FFC];
	_ =	sdelay $0x3  }
0x94: {  	_ =	strace s2  }
0x95: {  	s2 =	sld [smem:$0x3FFD];
	_ =	sdelay $0x3  }
0x96: {  	_ =	strace s2  }
0x97: {  	_ =	strace $0x8FFFFFFF  }
0x98: {  	s18 =	sld [smem:$0x3FDB];
	_ =	sdelay $0x1  }
0x99: {  	s19 =	simm.s32 $_scs_section_size  }
0x9a: {  	s4 =	simm.s32 $_size__tile_overlayer_lowered;
	s5 =	simm.s32 $_tile_overlayer_lowered  }
0x9b: {  	s22 =	simm.s32 $0x1BFF;
	s21 =	sshll.u32 s5, $0x1;
	s2 =	sadd.s32 s19, s18  }
0x9c: {  	s6 =	simm.s32 $0x0;
	s20 =	sshll.u32 s4, $0x1;
	s4 =	sadd.s32 s21, s2  }
0x9d: {  	[timem:s6], [sflag:s22] =	dma.local [hbm:s4], s20  }
0x9e: {  	_ =	swait.ge [sflag:s22], s20  }
0x9f: {  	s3 =	ssub.s32 $0x0, s20;
	[sflag:s22] =	ssyncset.done $0x0  }
0xa0: {  	[sflag:s22] =	ssyncadd.s32 s3;
	_ =	sdelay $0x1  }
0xa1: {  	s23 =	simm.s32 $0x1B8B  }
0xa2: {  	_ =	swait.ge [sflag:s23], $0x1  }
0xa3: {  	[sflag:s23] =	ssyncset.done $0x0  }
0xa4: {  	s25 =	simm.s32 $0x1B8E;
	s24 =	sld [smem:$0x3FFE];
	[sflag:s23] =	ssyncadd.s32 $0xFFFFFFFF  }
0xa5: {  	s26 =	simm.s32 $execute0_lowered;
	[smem:$0x3FD2] =	sst s25  }
0xa6: {  	s4 =	sshll.u32 s26, $0x1;
	_ =	strace $0x80000046;
	[dreg:$0x1] =	wrdreg $0xFFFFFFFF  }
0xa7: {  	s28 =	simm.s32 $_size_execute0_lowered;
	s2 =	sadd.s32 s2, s4;
	[dreg:$0x0] =	wrdreg $0x0  }
0xa8: {  	s4 =	sshll.u32 s28, $0x1;
	[dreg:$0x2] =	wrdreg s2  }
0xa9: {  	[dreg:$0x3] =	wrdreg s4  }
0xaa: {  	[dreg:$0x4] =	wrdreg $0xC0  }
0xab: {  	_ =	task [dreg:s6], $0x5FFFF  }
0xac: {  	[dreg:$0x1] =	wrdreg $0xFFFFFFFF  }
0xad: {  	[dreg:$0x0] =	wrdreg $0x60  }
0xae: {  	[dreg:$0x2] =	wrdreg s24  }
0xaf: {  	[dreg:$0x3] =	wrdreg $0x9  }
0xb0: {  	_ =	task.clear_ibuf [dreg:s6], $0x4FFFF;
	_ =	strace $0x90000046  }
0xb1: {  	s29 =	simm.s32 $0x9;
	_ =	strace $0x80000048  }
0xb2: {  	_ =	swait.ge [sflag:s29], $0x1  }
0xb3: {  	[sflag:s29] =	ssyncadd.s32 $0xFFFFFFFF  }
0xb4: {  	_ =	strace $0x90000048  }
0xb5: {  	_ =	sfence  }
0xb6: {  	s30 =	sld [smem:$0x0];
	_ =	sdelay $0x2  }
0xb7: {  	s31 =	sshll.u32 s1, $0xD;
	s1 =	sshrl.u32 s1, $0x2  }
0xb8: {  	s3 =	sand.u32 $0x4000, s31;
	s1 =	sadd.s32 s1, s30  }
0xb9: {  	s0 =	sor.u32 s3, s0;
	s1 =	sshll.u32 s1, $0x11  }
0xba: {  	s0 =	sor.u32 s1, s0  }
0xbb: {  	s0 =	sadd.s32 $0x8F2B, s0  }
0xbc: {  	[sflag:s0] =	ssyncadd.remote.s32 $0x1  }
0xbd: {  	_ =	sfence.sel $0xFFFF  }
0xbe: {  	[dreg:$0x0] =	wrdreg $0xFFFFFFFF;
	(pc) =	sbr.abs _section_cstart, $3  }
0xbf: {  	[dreg:$0x1] =	wrdreg $0xFFFFFFFF  }
0xc0: {  	_ =	task.clear_ibuf [dreg:s6], $0x2FFFF;
	_ =	strace $0x9FFFFFFF  }
0xc1: {  	(tm) =	ssettm $0x7FFFFFFF  }
tec
execute0_lowered:
.L_overlay_start_1:
0x0: {  	(tag) =	ssettag $0x1  }
0x1: {  	s0 =	rddreg [dreg:$0x0];
	s3 =	srdreg.scid  }
0x2: {  	s2 =	simm.s32 $0x0;
	s1 =	stileid.u32;
	s16 =	simm.s32 $0x5  }
0x3: {  	s17 =	simm.s32 $0x200;
	s18 =	simm.s32 $0x400;
	s19 =	simm.s32 $0x2400  }
0x4: {  	s20 =	simm.s32 $0x1;
	s21 =	simm.s32 $0x10;
	s22 =	simm.s32 $0x1A0  }
0x5: {  	s23 =	simm.s32 $0x2;
	s24 =	simm.s32 $0x3;
	s25 =	simm.s32 $0x4  }
0x6: {  	s26 =	simm.s32 $0x0;
	s6 =	sand.u32 $0x1, s3;
	[smem:$0x7FF] =	sst s2  }
0x7: {  	s4 =	sshll.u32 s1, $0xA;
	s3 =	sadd.s32 $0x27AD600, s0;
	s12 =	sadd.s32 $0xE200, s0  }
0x8: {  	s9 =	smul.u32 $0x68000, s1;
	s5 =	sshll.u32 s6, $0x9;
	_ =	strace $0x80000047  }
0x9: {  	s8 =	ssub.s32 $0x2, s6;
	s11 =	smul.u32 $0x34000, s6;
	s14 =	sor.u32 s5, s4  }
0xa: {  	s4 =	sadd.s32 $0x1200, s0;
	s10 =	sshrl.u32 s8, $0x1;
	s7 =	smul.u32 $0x1A0, s14  }
0xb: {  	s5 =	sshrl.u32 s14, $0x3;
	s8 =	ssub.s32 s8, s10;
	s11 =	sadd.s32 s11, s9  }
0xc: {  	s30 =	sor.u32 $0xC000, s14;
	s14 =	sor.u32 $0x8000, s14;
	s5 =	sadd.s32 s4, s5  }
0xd: {  	s8 =	smax.u32 s8, $0x1;
	s13 =	sor.u32 $0x10, s11;
	s15 =	sshrl.u32 s11, $0x3  }
0xe: {  	s31 =	sshrl.u32 s30, $0x3;
	s6 =	sadd.s32 $0x800, s5;
	s29 =	sshrl.u32 s7, $0x3  }
0xf: {  	s7 =	sadd.s32 $0x27DE340, s0;
	s13 =	sshrl.u32 s13, $0x3;
	s10 =	sadd.s32 s29, s12  }
0x10: {  	s11 =	sadd.s32 s13, s12;
	s12 =	sadd.s32 s15, s12;
	s13 =	sadd.s32 $0x280F080, s0  }
0x11: {  	s15 =	sadd.s32 s31, s4;
	s9 =	sadd.s32 $0x30, s10;
	s10 =	sadd.s32 $0x32, s10  }
.LBB2_1:
0x12: {  	[tilespmem:s2], [sflag:$0x5] =	stream.linear.gather [hbm4b:s5+s2], $0x200, $0x38;
	[tilespmem:$0x4400] =	vst v63  }
0x13: {  	_ =	swait.ge [sflag:s16], $0x200  }
0x14: {  	[sflag:s16] =	ssyncset.done $0x0  }
0x15: {  	[sflag:s16] =	ssyncadd.s32 $0xFFFFFE00  }
0x16: {  	[tilespmem:s18], [sflag:$0x1] =	stream.indirect.gather [hbm4b:s3+s17], $0x10, s2, s17, $0xb8;
	[tilespmem:$0x4400] =	vst v63  }
0x17: {  	_ = 	snop  }
0x18: {  	[tilespmem:s17], [sflag:$0x5] =	stream.linear.gather [hbm4b:s6+s2], $0x200, $0x38;
	[tilespmem:$0x4400] =	vst v63  }
0x19: {  	_ =	swait.ge [sflag:s16], $0x200  }
0x1a: {  	[sflag:s16] =	ssyncset.done $0x0  }
0x1b: {  	[sflag:s16] =	ssyncadd.s32 $0xFFFFFE00  }
0x1c: {  	[tilespmem:s19], [sflag:$0x2] =	stream.indirect.gather [hbm4b:s7+s17], $0x10, s17, s17, $0xb8;
	[tilespmem:$0x4400] =	vst v63  }
0x1d: {  	_ =	swait.ge [sflag:s20], $0x2000  }
0x1e: {  	[sflag:s20] =	ssyncset.done $0x0  }
0x1f: {  	s0 =	sadd.s32 $0x0, s12;
	[sflag:s20] =	ssyncadd.s32 $0xFFFFE000  }
0x20: {  	[hbm4b:s0+s21] =	stream.strided.scatter [tilespmem:s18], [sflag:$0x3], $0x2000, s22, s21, $0x38;
	[tilespmem:$0x4400] =	vst v63  }
0x21: {  	_ =	swait.ge [sflag:s23], $0x2000  }
0x22: {  	[sflag:s23] =	ssyncset.done $0x0  }
0x23: {  	s1 =	sadd.s32 $0x0, s11;
	[sflag:s23] =	ssyncadd.s32 $0xFFFFE000  }
0x24: {  	[hbm4b:s1+s21] =	stream.strided.scatter [tilespmem:s19], [sflag:$0x4], $0x2000, s22, s21, $0x38;
	[tilespmem:$0x4400] =	vst v63  }
0x25: {  	_ =	swait.ge [sflag:s24], $0x2000  }
0x26: {  	s1 =	sshrl.u32 s14, $0x3;
	[sflag:s24] =	ssyncset.done $0x0  }
0x27: {  	s0 =	sadd.s32 s4, s1;
	[sflag:s24] =	ssyncadd.s32 $0xFFFFE000  }
0x28: {  	[tilespmem:s2], [sflag:$0x5] =	stream.linear.gather [hbm4b:s0+s2], $0x200, $0x38;
	[tilespmem:$0x4400] =	vst v63  }
0x29: {  	_ =	swait.ge [sflag:s16], $0x200  }
0x2a: {  	[sflag:s16] =	ssyncset.done $0x0  }
0x2b: {  	[sflag:s16] =	ssyncadd.s32 $0xFFFFFE00  }
0x2c: {  	[tilespmem:s18], [sflag:$0x1] =	stream.indirect.gather [hbm4b:s13+s17], $0x10, s2, s17, $0xb8;
	[tilespmem:$0x4400] =	vst v63  }
0x2d: {  	_ =	swait.ge [sflag:s25], $0x2000  }
0x2e: {  	[sflag:s25] =	ssyncset.done $0x0  }
0x2f: {  	[sflag:s25] =	ssyncadd.s32 $0xFFFFE000  }
0x30: {  	[tilespmem:s17], [sflag:$0x5] =	stream.linear.gather [hbm4b:s15+s2], $0x200, $0x38;
	[tilespmem:$0x4400] =	vst v63  }
0x31: {  	s28 =	simm.s32 $0x4;
	_ =	swait.ge [sflag:s16], $0x200  }
0x32: {  	s29 =	sadd.s32 $0x8000, s14;
	s30 =	sadd.s32 $0x1000, s15;
	[sflag:s16] =	ssyncset.done $0x0  }
0x33: {  	s31 =	sadd.s32 $0x61A80, s13;
	s0 =	sadd.s32 $0x30D40, s13;
	[sflag:s16] =	ssyncadd.s32 $0xFFFFFE00  }
.LBB2_2:
0x34: {  	[tilespmem:s19], [sflag:$0x2] =	stream.indirect.gather [hbm4b:s0+s17], $0x10, s17, s17, $0xb8;
	[tilespmem:$0x4400] =	vst v63  }
0x35: {  	s0 =	smov.u32 s28  }
0x36: {  	p0 =	sne.s32 s28, $0x2C;
	s28 =	sadd.s32 $0x4, s28;
	_ =	swait.ge [sflag:s20], $0x2000  }
0x37: {  	[sflag:s20] =	ssyncset.done $0x0  }
0x38: {  	s1 =	sadd.s32 s0, s12;
	[sflag:s20] =	ssyncadd.s32 $0xFFFFE000  }
0x39: {  	[hbm4b:s1+s21] =	stream.strided.scatter [tilespmem:s18], [sflag:$0x3], $0x2000, s22, s21, $0x38;
	[tilespmem:$0x4400] =	vst v63  }
0x3a: {  	_ =	swait.ge [sflag:s23], $0x2000  }
0x3b: {  	[sflag:s23] =	ssyncset.done $0x0  }
0x3c: {  	s0 =	sadd.s32 s0, s11;
	[sflag:s23] =	ssyncadd.s32 $0xFFFFE000  }
0x3d: {  	[hbm4b:s0+s21] =	stream.strided.scatter [tilespmem:s19], [sflag:$0x4], $0x2000, s22, s21, $0x38;
	[tilespmem:$0x4400] =	vst v63  }
0x3e: {  	_ =	swait.ge [sflag:s24], $0x2000  }
0x3f: {  	s0 =	sshrl.u32 s29, $0x3;
	[sflag:s24] =	ssyncset.done $0x0  }
0x40: {  	s0 =	sadd.s32 s4, s0;
	[sflag:s24] =	ssyncadd.s32 $0xFFFFE000  }
0x41: {  	[tilespmem:s2], [sflag:$0x5] =	stream.linear.gather [hbm4b:s0+s2], $0x200, $0x38;
	[tilespmem:$0x4400] =	vst v63  }
0x42: {  	_ =	swait.ge [sflag:s16], $0x200  }
0x43: {  	[sflag:s16] =	ssyncset.done $0x0  }
0x44: {  	[sflag:s16] =	ssyncadd.s32 $0xFFFFFE00  }
0x45: {  	[tilespmem:s18], [sflag:$0x1] =	stream.indirect.gather [hbm4b:s31+s17], $0x10, s2, s17, $0xb8;
	[tilespmem:$0x4400] =	vst v63  }
0x46: {  	_ =	swait.ge [sflag:s25], $0x2000  }
0x47: {  	[sflag:s25] =	ssyncset.done $0x0  }
.Ltmp0:
0x48: {  	[sflag:s25] =	ssyncadd.s32 $0xFFFFE000;
	(pc) =	sbr.rel @p0 .LBB2_2-.Ltmp0, $4  }
0x49: {  	[tilespmem:s17], [sflag:$0x5] =	stream.linear.gather [hbm4b:s30+s2], $0x200, $0x38;
	[tilespmem:$0x4400] =	vst v63  }
0x4a: {  	_ =	swait.ge [sflag:s16], $0x200  }
0x4b: {  	s29 =	sadd.s32 $0x8000, s29;
	s30 =	sadd.s32 $0x1000, s30;
	[sflag:s16] =	ssyncset.done $0x0  }
0x4c: {  	s0 =	sadd.s32 $0x30D40, s31;
	s31 =	sadd.s32 $0x61A80, s31;
	[sflag:s16] =	ssyncadd.s32 $0xFFFFFE00  }
0x4d: {  	[tilespmem:s19], [sflag:$0x2] =	stream.indirect.gather [hbm4b:s0+s17], $0x10, s17, s17, $0xb8;
	[tilespmem:$0x4400] =	vst v63  }
0x4e: {  	_ =	swait.ge [sflag:s20], $0x2000  }
0x4f: {  	[sflag:s20] =	ssyncset.done $0x0  }
0x50: {  	[sflag:s20] =	ssyncadd.s32 $0xFFFFE000  }
0x51: {  	[hbm4b:s9+s21] =	stream.strided.scatter [tilespmem:s18], [sflag:$0x3], $0x2000, s22, s21, $0x38;
	[tilespmem:$0x4400] =	vst v63  }
0x52: {  	_ =	swait.ge [sflag:s23], $0x2000  }
0x53: {  	[sflag:s23] =	ssyncset.done $0x0  }
0x54: {  	s26 =	sadd.s32 $0x1, s26;
	[sflag:s23] =	ssyncadd.s32 $0xFFFFE000  }
0x55: {  	[hbm4b:s10+s21] =	stream.strided.scatter [tilespmem:s19], [sflag:$0x4], $0x2000, s22, s21, $0x38;
	[tilespmem:$0x4400] =	vst v63  }
0x56: {  	p0 =	sne.s32 s26, s8;
	_ =	swait.ge [sflag:s24], $0x2000  }
.Ltmp1:
0x57: {  	[sflag:s24] =	ssyncset.done $0x0;
	(pc) =	sbr.rel @p0 .LBB2_1-.Ltmp1, $4  }
0x58: {  	[sflag:s24] =	ssyncadd.s32 $0xFFFFE000  }
0x59: {  	_ =	swait.ge [sflag:s25], $0x2000  }
0x5a: {  	[sflag:s25] =	ssyncset.done $0x0  }
0x5b: {  	[sflag:s25] =	ssyncadd.s32 $0xFFFFE000  }
0x5c: {  	_ =	sfence.sel $0x180000  }
0x5d: {  	[bflag:$0x0] =	sbarrier.arrive $0xFFFF  }
0x5e: {  	_ =	strace $0x90000047  }
0x5f: {  	s0 =	stileid.u32;
	[bflag:$0x2] =	sbarrier.arrive $0xFFFF  }
0x60: {  	p0 =	sne.s32 s0, $0x0;
	s0 =	rddreg [dreg:$0x1]  }
0x61: {  	s0 =	sadd.s32 @!p0 $0x100000, s0  }
0x62: {  	[sflag:s0] =	ssyncadd.tile.s32 @!p0 $0x1;
	_ =	shalt  }
.Lfunc_end2:
_tile_overlayer_lowered:
.L_overlay_start_2:
0x63: {  	(tag) =	ssettag $0x2  }
0x64: {  	s0 =	rddreg [dreg:$0x0];
	s2 =	stileid.u32  }
0x65: {  	s1 =	rddreg [dreg:$0x1];
	p0 =	sne.s32 s2, $0x0  }
0x66: {  	s3 =	rddreg [dreg:$0x2];
	[bflag:$0x3] =	sbarrier.arrive $0xFFFF;
	s2 =	simm.s32 @!p0 $0x1C05  }
0x67: {  	[timem:s3], [sflag:s2] =	dma.local @!p0 [hbm:s0], s1  }
0x68: {  	s0 =	simm.s32 @!p0 $0x5  }
0x69: {  	_ =	swait.ge @!p0 [sflag:s0], s1  }
0x6a: {  	s1 =	ssub.s32 @!p0 $0x0, s1;
	[sflag:s0] =	ssyncset.done @!p0 $0x0  }
0x6b: {  	[sflag:s0] =	ssyncadd.s32 @!p0 s1  }
0x6c: {  	[bflag:$0x3] =	sbarrier.arrive $0xFFFF  }
0x6d: {  	_ =	shalt  }

</sc_bundles>
